<compile_context>
chip_gen: v7x
topology: tpu7x:2x2x1
jax: 0.10.2.dev20260603
libtpu: 0.0.44.dev20260713+nightly
codegen_flags: <defaults>
</compile_context>

<pallas_src>
import functools

import jax
import jax.numpy as jnp
from jax import lax
from jax.experimental import pallas as pl
from jax.experimental.pallas import tpu as pltpu
from jax.experimental.pallas import tpu_sc as plsc

B = 1024
D = 1024
E = 16
K = 2
H = 2048
DOUT = 1024
MED = 128
SH = 2048

TB = 128
NT = (B * K) // TB + E
NSLOT = NT * TB

NW = 32
TPW = B // NW

@functools.cache
def _sc_mesh():
    return plsc.VectorSubcoreMesh(core_axis_name="c", subcore_axis_name="s",
                                  num_cores=2, num_subcores=16)


def _worker_id():
    return lax.axis_index("s") * 2 + lax.axis_index("c")


def _sc_embed_body(ptab, mtab, pids, mids, x_out, th_out,
                   pidx, midx, xrows, trows, sem):
    base = _worker_id() * TPW
    pltpu.sync_copy(pids.at[pl.ds(base, TPW)], pidx)
    pltpu.async_copy(ptab.at[pidx], xrows, sem).wait()
    pltpu.sync_copy(xrows, x_out.at[pl.ds(base, TPW)])
    pltpu.sync_copy(mids.at[pl.ds(base, TPW)], midx)
    pltpu.async_copy(mtab.at[midx], trows, sem).wait()
    pltpu.sync_copy(trows, th_out.at[pl.ds(base, TPW)])


@functools.cache
def _sc_embed():
    return pl.kernel(
        _sc_embed_body,
        out_type=[jax.ShapeDtypeStruct((B, D), jnp.float32),
                  jax.ShapeDtypeStruct((B, MED), jnp.float32)],
        mesh=_sc_mesh(),
        scratch_types=[pltpu.VMEM((TPW,), jnp.int32),
                       pltpu.VMEM((TPW,), jnp.int32),
                       pltpu.VMEM((TPW, D), jnp.float32),
                       pltpu.VMEM((TPW, MED), jnp.float32),
                       pltpu.SemaphoreType.DMA],
    )


def _route_body(x_ref, gw_ref, gb_ref, w01_ref, slot01_ref, slotT_ref,
                xb_ref, te_ref, seg_ref, eseg_ref, ns_ref):
    x = x_ref[...]
    xb_ref[...] = x.astype(jnp.bfloat16)
    gl = jnp.dot(x, gw_ref[...], preferred_element_type=jnp.float32) + gb_ref[...]
    ei = lax.broadcasted_iota(jnp.int32, (B, E), 1)

    m0 = jnp.max(gl, axis=1, keepdims=True)
    i0 = jnp.min(jnp.where(gl == m0, ei, E), axis=1, keepdims=True)
    gl2 = jnp.where(ei == i0, -jnp.inf, gl)
    m1 = jnp.max(gl2, axis=1, keepdims=True)
    i1 = jnp.min(jnp.where(gl2 == m1, ei, E), axis=1, keepdims=True)

    e1 = jnp.exp(m1 - m0)
    denom = 1.0 + e1
    w01_ref[...] = jnp.concatenate([1.0 / denom, e1 / denom], axis=1)

    m_top = (ei == i0).astype(jnp.float32)
    m_sec = (ei == i1).astype(jnp.float32)

    C = 256
    ri = lax.broadcasted_iota(jnp.int32, (C, C), 0)
    ci = lax.broadcasted_iota(jnp.int32, (C, C), 1)
    tril = (ci < ri).astype(jnp.float32)
    running = jnp.zeros((1, E), jnp.float32)
    ranks = []
    for m_full in (m_top, m_sec):
        rchunks = []
        for c in range(B // C):
            mc = m_full[c * C:(c + 1) * C, :]
            pref = jnp.dot(tril, mc, preferred_element_type=jnp.float32)
            rchunks.append(jnp.sum((pref + running) * mc, axis=1, keepdims=True))
            running = running + jnp.sum(mc, axis=0, keepdims=True)
        ranks.append(jnp.concatenate(rchunks, axis=0))

    counts = running.astype(jnp.int32)
    padded = ((counts + TB - 1) // TB) * TB
    ur = lax.broadcasted_iota(jnp.int32, (E, E), 0)
    uc = lax.broadcasted_iota(jnp.int32, (E, E), 1)
    upper = (ur < uc).astype(jnp.float32)
    offs = jnp.dot(padded.astype(jnp.float32), upper,
                   preferred_element_type=jnp.float32)
    slot0 = jnp.sum(offs * m_top, axis=1, keepdims=True) + ranks[0]
    slot1 = jnp.sum(offs * m_sec, axis=1, keepdims=True) + ranks[1]
    slot01 = jnp.concatenate([slot0, slot1], axis=1).astype(jnp.int32)
    slot01_ref[...] = slot01
    slotT_ref[...] = jnp.transpose(slot01, (1, 0))

    ends = offs + padded.astype(jnp.float32)
    tpos = lax.broadcasted_iota(jnp.int32, (NT, E), 0).astype(jnp.float32) * TB
    te_f = jnp.sum((tpos >= jnp.broadcast_to(ends, (NT, E))).astype(jnp.float32),
                   axis=1, keepdims=True)
    te_f = jnp.minimum(te_f, E - 1)
    te_ref[...] = jnp.broadcast_to(te_f.astype(jnp.int32), (NT, 128))

    te_prev = jnp.concatenate([te_f[0:1], te_f[:-1]], axis=0)
    change = (te_f != te_prev).astype(jnp.float32)
    tr = lax.broadcasted_iota(jnp.int32, (NT, NT), 0)
    tc = lax.broadcasted_iota(jnp.int32, (NT, NT), 1)
    tril_inc = (tc <= tr).astype(jnp.float32)
    seg = jnp.dot(tril_inc, change, preferred_element_type=jnp.float32)
    nseg = seg[NT - 1:NT, 0:1] + 1.0
    firstt = jnp.concatenate([jnp.ones((1, 1), jnp.float32), change[1:]], axis=0)
    segT = jnp.transpose(seg, (1, 0))
    firstT = jnp.transpose(firstt, (1, 0))
    onehot = ((tr.astype(jnp.float32) == jnp.broadcast_to(segT, (NT, NT)))
              .astype(jnp.float32) * jnp.broadcast_to(firstT, (NT, NT)))
    eseg = jnp.dot(onehot, te_f, preferred_element_type=jnp.float32)
    seg_ref[...] = jnp.broadcast_to(seg.astype(jnp.int32), (NT, 128))
    eseg_ref[...] = jnp.broadcast_to(eseg.astype(jnp.int32), (NT, 128))
    ns_ref[...] = jnp.broadcast_to(nseg.astype(jnp.int32), (1, 128))


_route = pl.pallas_call(
    _route_body,
    out_shape=[jax.ShapeDtypeStruct((B, K), jnp.float32),
               jax.ShapeDtypeStruct((B, K), jnp.int32),
               jax.ShapeDtypeStruct((K, B), jnp.int32),
               jax.ShapeDtypeStruct((B, D), jnp.bfloat16),
               jax.ShapeDtypeStruct((NT, 128), jnp.int32),
               jax.ShapeDtypeStruct((NT, 128), jnp.int32),
               jax.ShapeDtypeStruct((NT, 128), jnp.int32),
               jax.ShapeDtypeStruct((1, 128), jnp.int32)],
)


NBUF = 3


def _expert_body(te_ref, seg_ref, eseg_ref, nseg_ref,
                 xb_ref, s01_ref, sT_ref, w01_ref,
                 w1_hbm, b1_ref, w2_hbm, b2_ref, routed_ref,
                 w1bufs, w2bufs, sems):
    t = pl.program_id(0)
    s = seg_ref[t]
    nseg = nseg_ref[0]

    def issue(si):
        slot = lax.rem(si, NBUF)
        e = eseg_ref[si]
        pltpu.make_async_copy(w1_hbm.at[e], w1bufs.at[slot],
                              sems.at[slot, 0]).start()
        pltpu.make_async_copy(w2_hbm.at[e], w2bufs.at[slot],
                              sems.at[slot, 1]).start()

    prev = seg_ref[jnp.maximum(t - 1, 0)]
    first = jnp.logical_or(t == 0, s != prev)

    @pl.when(t == 0)
    def _prime():
        for k in range(NBUF):
            @pl.when(k < nseg)
            def _():
                issue(k)

    @pl.when(jnp.logical_and(t > 0,
                             jnp.logical_and(first, s + (NBUF - 1) < nseg)))
    def _ahead():
        issue(s + (NBUF - 1))

    slot = lax.rem(s, NBUF)

    @pl.when(first)
    def _wait():
        e = eseg_ref[s]
        pltpu.make_async_copy(w1_hbm.at[e], w1bufs.at[slot],
                              sems.at[slot, 0]).wait()
        pltpu.make_async_copy(w2_hbm.at[e], w2bufs.at[slot],
                              sems.at[slot, 1]).wait()

    scol = t * TB + lax.broadcasted_iota(jnp.int32, (TB, 1), 0)
    srow = t * TB + lax.broadcasted_iota(jnp.int32, (1, TB), 1)

    g = ((sT_ref[0:1, :] == scol) | (sT_ref[1:2, :] == scol))
    xg = jnp.dot(g.astype(jnp.bfloat16), xb_ref[...],
                 preferred_element_type=jnp.float32)

    h = jnp.maximum(
        jnp.dot(xg.astype(jnp.bfloat16), w1bufs[slot].astype(jnp.bfloat16),
                preferred_element_type=jnp.float32) + b1_ref[0], 0.0)
    y = (jnp.dot(h.astype(jnp.bfloat16), w2bufs[slot].astype(jnp.bfloat16),
                 preferred_element_type=jnp.float32) + b2_ref[0])

    gtw = ((s01_ref[:, 0:1] == srow).astype(jnp.float32) * w01_ref[:, 0:1]
           + (s01_ref[:, 1:2] == srow).astype(jnp.float32) * w01_ref[:, 1:2])
    contrib = jnp.dot(gtw.astype(jnp.bfloat16), y.astype(jnp.bfloat16),
                      preferred_element_type=jnp.float32)

    @pl.when(t == 0)
    def _init():
        routed_ref[...] = contrib

    @pl.when(t > 0)
    def _acc():
        routed_ref[...] = routed_ref[...] + contrib


_experts = pl.pallas_call(
    _expert_body,
    grid_spec=pltpu.PrefetchScalarGridSpec(
        num_scalar_prefetch=4,
        grid=(NT,),
        in_specs=[
            pl.BlockSpec((B, D), lambda t, te, sg, es, ns: (0, 0)),
            pl.BlockSpec((B, K), lambda t, te, sg, es, ns: (0, 0)),
            pl.BlockSpec((K, B), lambda t, te, sg, es, ns: (0, 0)),
            pl.BlockSpec((B, K), lambda t, te, sg, es, ns: (0, 0)),
            pl.BlockSpec(memory_space=pl.ANY),
            pl.BlockSpec((1, 1, H), lambda t, te, sg, es, ns: (te[t], 0, 0)),
            pl.BlockSpec(memory_space=pl.ANY),
            pl.BlockSpec((1, 1, DOUT), lambda t, te, sg, es, ns: (te[t], 0, 0)),
        ],
        out_specs=pl.BlockSpec((B, DOUT), lambda t, te, sg, es, ns: (0, 0)),
        scratch_shapes=[
            pltpu.VMEM((NBUF, D, H), jnp.float32),
            pltpu.VMEM((NBUF, H, DOUT), jnp.float32),
            pltpu.SemaphoreType.DMA((NBUF, 2)),
        ],
    ),
    out_shape=jax.ShapeDtypeStruct((B, DOUT), jnp.float32),
    compiler_params=pltpu.CompilerParams(
        dimension_semantics=("arbitrary",),
        vmem_limit_bytes=110 * 1024 * 1024,
    ),
)


RT = 256


def _final_body(xb_ref, w1_ref, b1_ref, w2_ref, b2_ref, rt_ref,
                th_ref, dw_ref, db_ref, cw_ref, cb_ref, out_ref):
    xb = xb_ref[...]
    hsh = jnp.maximum(
        jnp.dot(xb, w1_ref[...].astype(jnp.bfloat16),
                preferred_element_type=jnp.float32) + b1_ref[...], 0.0)
    sh = (jnp.dot(hsh.astype(jnp.bfloat16), w2_ref[...].astype(jnp.bfloat16),
                  preferred_element_type=jnp.float32) + b2_ref[...])

    hq = sh + rt_ref[...]
    bq = jnp.dot(hq, dw_ref[...], preferred_element_type=jnp.float32) + db_ref[...]
    aq = jnp.dot(hq, cw_ref[...], preferred_element_type=jnp.float32) + cb_ref[...]
    ability = jnp.sum(aq * th_ref[...], axis=1, keepdims=True)
    out_ref[...] = ability - bq


_final = pl.pallas_call(
    _final_body,
    grid=(B // RT,),
    in_specs=[
        pl.BlockSpec((RT, D), lambda i: (i, 0)),
        pl.BlockSpec((D, SH), lambda i: (0, 0)),
        pl.BlockSpec((1, SH), lambda i: (0, 0)),
        pl.BlockSpec((SH, DOUT), lambda i: (0, 0)),
        pl.BlockSpec((1, DOUT), lambda i: (0, 0)),
        pl.BlockSpec((RT, DOUT), lambda i: (i, 0)),
        pl.BlockSpec((RT, MED), lambda i: (i, 0)),
        pl.BlockSpec((DOUT, 1), lambda i: (0, 0)),
        pl.BlockSpec((1, 1), lambda i: (0, 0)),
        pl.BlockSpec((DOUT, MED), lambda i: (0, 0)),
        pl.BlockSpec((1, MED), lambda i: (0, 0)),
    ],
    out_specs=pl.BlockSpec((RT, 1), lambda i: (i, 0)),
    out_shape=jax.ShapeDtypeStruct((B, 1), jnp.float32),
    compiler_params=pltpu.CompilerParams(
        dimension_semantics=("arbitrary",),
        vmem_limit_bytes=100 * 1024 * 1024,
    ),
)


def kernel(params, prompt_table, model_ids, prompt_ids):
    p = params
    x, theta = _sc_embed()(prompt_table, p['model_table'],
                           prompt_ids.astype(jnp.int32),
                           model_ids.astype(jnp.int32))
    (w01, slot01, slotT, xb, te2d, seg2d, eseg2d,
     ns2d) = _route(x, p['gate_W'], p['gate_b'].reshape(1, E))
    routed = _experts(te2d[:, 0], seg2d[:, 0], eseg2d[:, 0], ns2d[0:1, 0],
                      xb, slot01, slotT, w01,
                      p['ex_W1'], p['ex_b1'].reshape(E, 1, H),
                      p['ex_W2'], p['ex_b2'].reshape(E, 1, DOUT))
    out = _final(xb, p['sh_W1'], p['sh_b1'].reshape(1, SH),
                 p['sh_W2'], p['sh_b2'].reshape(1, DOUT),
                 routed, theta,
                 p['diff_W'], p['diff_b'].reshape(1, 1),
                 p['disc_W'], p['disc_b'].reshape(1, MED))
    return out.reshape(B)

# --- scband reference (transcript-rebuilt; emitter-appended) ---
"""Pipeline reference for scband-mo-eclassifier-88510686036634 (READ-ONLY COPY).

The authoritative reference and input builder live on the scoring server;
editing this copy changes nothing except your own understanding.
"""

import jax, jax.numpy as jnp
import numpy as np

B = 1024
NUM_MODELS = 1000
NUM_PROMPTS = 100000
D = 1024          # prompt_embed_dim == moe_input_dim
E = 16            # num_experts
K = 2             # top_k
H = 2048          # expert_hidden_dim
DOUT = 1024       # expert_output_dim
SH = 2048         # shared_expert_hidden_dim
MED = 128         # model_embed_dim


def setup_inputs(seed: int = 0) -> dict:
    key = jax.random.key(seed)
    ks = jax.random.split(key, 20)
    s = 0.02
    params = {
        'model_table': jax.random.normal(ks[3], (NUM_MODELS, MED), jnp.float32),
        'gate_W': jax.random.normal(ks[4], (D, E), jnp.float32) * s,
        'gate_b': jnp.zeros((E,), jnp.float32),
        'sh_W1': jax.random.normal(ks[5], (D, SH), jnp.float32) * s,
        'sh_b1': jnp.zeros((SH,), jnp.float32),
        'sh_W2': jax.random.normal(ks[6], (SH, DOUT), jnp.float32) * s,
        'sh_b2': jnp.zeros((DOUT,), jnp.float32),
        'ex_W1': jax.random.normal(ks[7], (E, D, H), jnp.float32) * s,
        'ex_b1': jnp.zeros((E, H), jnp.float32),
        'ex_W2': jax.random.normal(ks[8], (E, H, DOUT), jnp.float32) * s,
        'ex_b2': jnp.zeros((E, DOUT), jnp.float32),
        'diff_W': jax.random.normal(ks[9], (DOUT, 1), jnp.float32) * s,
        'diff_b': jnp.zeros((1,), jnp.float32),
        'disc_W': jax.random.normal(ks[10], (DOUT, MED), jnp.float32) * s,
        'disc_b': jnp.zeros((MED,), jnp.float32),
    }
    return {
        'params': params,
        'prompt_table': jax.random.normal(ks[2], (NUM_PROMPTS, D), jnp.float32),
        'model_ids': jax.random.randint(ks[0], (B,), 0, NUM_MODELS),
        'prompt_ids': jax.random.randint(ks[1], (B,), 0, NUM_PROMPTS),
    }


def _moe_forward(params, x, indices, flat_idx):
    # gating logits (recomputed; indices are the top-k constants)
    gl = x @ params['gate_W'] + params['gate_b']
    topv = jnp.take_along_axis(gl, indices, axis=1)
    w = jax.nn.softmax(topv, axis=-1)
    bsz = x.shape[0]
    flat_x = jnp.repeat(x, K, axis=0)
    out = jnp.zeros((bsz * K, DOUT), jnp.float32)
    for i in range(E):
        mask = (flat_idx == i)
        hi = jax.nn.relu(flat_x @ params['ex_W1'][i] + params['ex_b1'][i])
        yi = hi @ params['ex_W2'][i] + params['ex_b2'][i]
        out = jnp.where(mask[:, None], yi, out)
    expert_out = out.reshape(bsz, K, DOUT)
    routed = (expert_out * w[..., None]).sum(axis=1)
    return routed, gl


def _full_forward(params, x, theta, indices, flat_idx):
    sh = jax.nn.relu(x @ params['sh_W1'] + params['sh_b1']) @ params['sh_W2'] + params['sh_b2']
    routed, gl = _moe_forward(params, x, indices, flat_idx)
    h_q = sh + routed
    b_q = h_q @ params['diff_W'] + params['diff_b']
    a_q = h_q @ params['disc_W'] + params['disc_b']
    ability = jnp.sum(a_q * theta, axis=1, keepdims=True)
    logit = ability - b_q
    return logit.squeeze(-1)


def reference(params, prompt_table, model_ids, prompt_ids):
    # prompt embedding lookup (frozen table; eval mode -> no noise, no dropout)
    x = prompt_table[prompt_ids]
    # top-k routing indices (non-differentiable constants)
    gl = x @ params['gate_W'] + params['gate_b']
    _, indices = jax.lax.top_k(gl, K)
    flat_idx = indices.reshape(-1)
    theta = params['model_table'][model_ids]
    return _full_forward(params, x, theta, indices, flat_idx)

if __name__ == "__main__":
    import jax
    _d = setup_inputs()
    print(jax.jit(kernel)(*tuple(_d.values())))

</pallas_src>

<mosaic_0001>
#map = affine_map<(d0, d1) -> (0, 0)>
#map1 = affine_map<(d0, d1) -> (0)>
module attributes {stable_mosaic.version = 14 : i64} {
  func.func @_sc_embed_body(%arg0: i32, %arg1: i32, %arg2: memref<100000x1024xf32, #tpu.memory_space<hbm>>, %arg3: memref<1000x128xf32, #tpu.memory_space<hbm>>, %arg4: memref<1024xi32, #tpu.memory_space<hbm>>, %arg5: memref<1024xi32, #tpu.memory_space<hbm>>, %arg6: memref<1024x1024xf32, #tpu.memory_space<hbm>>, %arg7: memref<1024x128xf32, #tpu.memory_space<hbm>>, %arg8: memref<32xi32, #tpu.memory_space<vmem>>, %arg9: memref<32xi32, #tpu.memory_space<vmem>>, %arg10: memref<32x1024xf32, #tpu.memory_space<vmem>>, %arg11: memref<32x128xf32, #tpu.memory_space<vmem>>, %arg12: memref<!tpu.dma_semaphore, #tpu.memory_space<semaphore_mem>>) attributes {dimension_semantics = [#tpu.dimension_semantics<core_parallel>, #tpu.dimension_semantics<subcore_parallel>], iteration_bounds = array<i64: 2, 16>, scalar_prefetch = 0 : i64, scratch_operands = 5 : i64, tpu.core_type = #tpu.core_type<sc_vector_subcore>, window_params = [{transform_indices = #map}, {transform_indices = #map}, {transform_indices = #map1}, {transform_indices = #map1}, {transform_indices = #map}, {transform_indices = #map}]} {
    %mul3A = arith.constant 2 : i32
    %mul3A_0 = arith.muli %arg1, %mul3A : i32
    %add3A = arith.addi %mul3A_0, %arg0 : i32
    %mul3A_1 = arith.constant 32 : i32
    %mul3A_2 = arith.muli %add3A, %mul3A_1 : i32
    "tpu.region"() ({
      %run_scoped3A = tpu.sem_alloc : memref<!tpu.dma_semaphore, #tpu.memory_space<semaphore_mem>>
      %dma_start3A_13 = tpu.memref_slice %arg4[%mul3A_2] : memref<1024xi32, #tpu.memory_space<hbm>> -> memref<32xi32, #tpu.memory_space<hbm>>
      %dma_start3A_14 = tpu.memref_slice %arg4[%mul3A_2] : memref<1024xi32, #tpu.memory_space<hbm>> -> memref<32xi32, #tpu.memory_space<hbm>>
      tpu.enqueue_dma source(%dma_start3A_14 : memref<32xi32, #tpu.memory_space<hbm>>) target(%arg8 : memref<32xi32, #tpu.memory_space<vmem>>) target_semaphore(%run_scoped3A : memref<!tpu.dma_semaphore, #tpu.memory_space<semaphore_mem>>)
      %dma_wait3A_15 = tpu.memref_slice %arg4[%mul3A_2] : memref<1024xi32, #tpu.memory_space<hbm>> -> memref<32xi32, #tpu.memory_space<hbm>>
      %dma_wait3A_16 = tpu.memref_slice %arg4[%mul3A_2] : memref<1024xi32, #tpu.memory_space<hbm>> -> memref<32xi32, #tpu.memory_space<hbm>>
      tpu.wait_dma2 semaphore(%run_scoped3A : memref<!tpu.dma_semaphore, #tpu.memory_space<semaphore_mem>>) src(%dma_wait3A_16 : memref<32xi32, #tpu.memory_space<hbm>>) dst(%arg8 : memref<32xi32, #tpu.memory_space<vmem>>)
      tpu.yield
    }) : () -> ()
    %dma_start3A = arith.constant 0 : i32
    %dma_start3A_3 = arith.constant 0 : i32
    %dma_start3A_4 = tpu.memref_slice %arg2[%dma_start3A, %dma_start3A_3] : memref<100000x1024xf32, #tpu.memory_space<hbm>> -> memref<100000x1024xf32, #tpu.memory_space<hbm>>
    tpu.enqueue_indirect_dma source(%dma_start3A_4 : memref<100000x1024xf32, #tpu.memory_space<hbm>>) target(%arg10 : memref<32x1024xf32, #tpu.memory_space<vmem>>) offsets(%arg8 : memref<32xi32, #tpu.memory_space<vmem>>) semaphore(%arg12 : memref<!tpu.dma_semaphore, #tpu.memory_space<semaphore_mem>>)
    %dma_wait3A = arith.constant 0 : i32
    %dma_wait3A_5 = arith.constant 0 : i32
    %dma_wait3A_6 = tpu.memref_slice %arg2[%dma_wait3A, %dma_wait3A_5] : memref<100000x1024xf32, #tpu.memory_space<hbm>> -> memref<100000x1024xf32, #tpu.memory_space<hbm>>
    tpu.wait_indirect_dma semaphore(%arg12 : memref<!tpu.dma_semaphore, #tpu.memory_space<semaphore_mem>>) src(%dma_wait3A_6 : memref<100000x1024xf32, #tpu.memory_space<hbm>>) dst(%arg10 : memref<32x1024xf32, #tpu.memory_space<vmem>>)
    "tpu.region"() ({
      %run_scoped3A = tpu.sem_alloc : memref<!tpu.dma_semaphore, #tpu.memory_space<semaphore_mem>>
      %dma_start3A_13 = arith.constant 0 : i32
      %dma_start3A_14 = tpu.memref_slice %arg6[%mul3A_2, %dma_start3A_13] : memref<1024x1024xf32, #tpu.memory_space<hbm>> -> memref<32x1024xf32, #tpu.memory_space<hbm>>
      %dma_start3A_15 = arith.constant 0 : i32
      %dma_start3A_16 = tpu.memref_slice %arg6[%mul3A_2, %dma_start3A_15] : memref<1024x1024xf32, #tpu.memory_space<hbm>> -> memref<32x1024xf32, #tpu.memory_space<hbm>>
      tpu.enqueue_dma source(%arg10 : memref<32x1024xf32, #tpu.memory_space<vmem>>) target(%dma_start3A_16 : memref<32x1024xf32, #tpu.memory_space<hbm>>) target_semaphore(%run_scoped3A : memref<!tpu.dma_semaphore, #tpu.memory_space<semaphore_mem>>)
      %dma_wait3A_17 = arith.constant 0 : i32
      %dma_wait3A_18 = tpu.memref_slice %arg6[%mul3A_2, %dma_wait3A_17] : memref<1024x1024xf32, #tpu.memory_space<hbm>> -> memref<32x1024xf32, #tpu.memory_space<hbm>>
      %dma_wait3A_19 = arith.constant 0 : i32
      %dma_wait3A_20 = tpu.memref_slice %arg6[%mul3A_2, %dma_wait3A_19] : memref<1024x1024xf32, #tpu.memory_space<hbm>> -> memref<32x1024xf32, #tpu.memory_space<hbm>>
      tpu.wait_dma2 semaphore(%run_scoped3A : memref<!tpu.dma_semaphore, #tpu.memory_space<semaphore_mem>>) src(%arg10 : memref<32x1024xf32, #tpu.memory_space<vmem>>) dst(%dma_wait3A_20 : memref<32x1024xf32, #tpu.memory_space<hbm>>)
      tpu.yield
    }) : () -> ()
    "tpu.region"() ({
      %run_scoped3A = tpu.sem_alloc : memref<!tpu.dma_semaphore, #tpu.memory_space<semaphore_mem>>
      %dma_start3A_13 = tpu.memref_slice %arg5[%mul3A_2] : memref<1024xi32, #tpu.memory_space<hbm>> -> memref<32xi32, #tpu.memory_space<hbm>>
      %dma_start3A_14 = tpu.memref_slice %arg5[%mul3A_2] : memref<1024xi32, #tpu.memory_space<hbm>> -> memref<32xi32, #tpu.memory_space<hbm>>
      tpu.enqueue_dma source(%dma_start3A_14 : memref<32xi32, #tpu.memory_space<hbm>>) target(%arg9 : memref<32xi32, #tpu.memory_space<vmem>>) target_semaphore(%run_scoped3A : memref<!tpu.dma_semaphore, #tpu.memory_space<semaphore_mem>>)
      %dma_wait3A_15 = tpu.memref_slice %arg5[%mul3A_2] : memref<1024xi32, #tpu.memory_space<hbm>> -> memref<32xi32, #tpu.memory_space<hbm>>
      %dma_wait3A_16 = tpu.memref_slice %arg5[%mul3A_2] : memref<1024xi32, #tpu.memory_space<hbm>> -> memref<32xi32, #tpu.memory_space<hbm>>
      tpu.wait_dma2 semaphore(%run_scoped3A : memref<!tpu.dma_semaphore, #tpu.memory_space<semaphore_mem>>) src(%dma_wait3A_16 : memref<32xi32, #tpu.memory_space<hbm>>) dst(%arg9 : memref<32xi32, #tpu.memory_space<vmem>>)
      tpu.yield
    }) : () -> ()
    %dma_start3A_7 = arith.constant 0 : i32
    %dma_start3A_8 = arith.constant 0 : i32
    %dma_start3A_9 = tpu.memref_slice %arg3[%dma_start3A_7, %dma_start3A_8] : memref<1000x128xf32, #tpu.memory_space<hbm>> -> memref<1000x128xf32, #tpu.memory_space<hbm>>
    tpu.enqueue_indirect_dma source(%dma_start3A_9 : memref<1000x128xf32, #tpu.memory_space<hbm>>) target(%arg11 : memref<32x128xf32, #tpu.memory_space<vmem>>) offsets(%arg9 : memref<32xi32, #tpu.memory_space<vmem>>) semaphore(%arg12 : memref<!tpu.dma_semaphore, #tpu.memory_space<semaphore_mem>>)
    %dma_wait3A_10 = arith.constant 0 : i32
    %dma_wait3A_11 = arith.constant 0 : i32
    %dma_wait3A_12 = tpu.memref_slice %arg3[%dma_wait3A_10, %dma_wait3A_11] : memref<1000x128xf32, #tpu.memory_space<hbm>> -> memref<1000x128xf32, #tpu.memory_space<hbm>>
    tpu.wait_indirect_dma semaphore(%arg12 : memref<!tpu.dma_semaphore, #tpu.memory_space<semaphore_mem>>) src(%dma_wait3A_12 : memref<1000x128xf32, #tpu.memory_space<hbm>>) dst(%arg11 : memref<32x128xf32, #tpu.memory_space<vmem>>)
    "tpu.region"() ({
      %run_scoped3A = tpu.sem_alloc : memref<!tpu.dma_semaphore, #tpu.memory_space<semaphore_mem>>
      %dma_start3A_13 = arith.constant 0 : i32
      %dma_start3A_14 = tpu.memref_slice %arg7[%mul3A_2, %dma_start3A_13] : memref<1024x128xf32, #tpu.memory_space<hbm>> -> memref<32x128xf32, #tpu.memory_space<hbm>>
      %dma_start3A_15 = arith.constant 0 : i32
      %dma_start3A_16 = tpu.memref_slice %arg7[%mul3A_2, %dma_start3A_15] : memref<1024x128xf32, #tpu.memory_space<hbm>> -> memref<32x128xf32, #tpu.memory_space<hbm>>
      tpu.enqueue_dma source(%arg11 : memref<32x128xf32, #tpu.memory_space<vmem>>) target(%dma_start3A_16 : memref<32x128xf32, #tpu.memory_space<hbm>>) target_semaphore(%run_scoped3A : memref<!tpu.dma_semaphore, #tpu.memory_space<semaphore_mem>>)
      %dma_wait3A_17 = arith.constant 0 : i32
      %dma_wait3A_18 = tpu.memref_slice %arg7[%mul3A_2, %dma_wait3A_17] : memref<1024x128xf32, #tpu.memory_space<hbm>> -> memref<32x128xf32, #tpu.memory_space<hbm>>
      %dma_wait3A_19 = arith.constant 0 : i32
      %dma_wait3A_20 = tpu.memref_slice %arg7[%mul3A_2, %dma_wait3A_19] : memref<1024x128xf32, #tpu.memory_space<hbm>> -> memref<32x128xf32, #tpu.memory_space<hbm>>
      tpu.wait_dma2 semaphore(%run_scoped3A : memref<!tpu.dma_semaphore, #tpu.memory_space<semaphore_mem>>) src(%arg11 : memref<32x128xf32, #tpu.memory_space<vmem>>) dst(%dma_wait3A_20 : memref<32x128xf32, #tpu.memory_space<hbm>>)
      tpu.yield
    }) : () -> ()
    return
  }
}

module attributes {stable_mosaic.version = 14 : i64} {
  func.func @_route_body(%arg0: memref<1024x1024xf32, #tpu.memory_space<vmem>>, %arg1: memref<1024x16xf32, #tpu.memory_space<vmem>>, %arg2: memref<1x16xf32, #tpu.memory_space<vmem>>, %arg3: memref<1024x2xf32, #tpu.memory_space<vmem>>, %arg4: memref<1024x2xi32, #tpu.memory_space<vmem>>, %arg5: memref<2x1024xi32, #tpu.memory_space<vmem>>, %arg6: memref<1024x1024xbf16, #tpu.memory_space<vmem>>, %arg7: memref<32x128xi32, #tpu.memory_space<vmem>>, %arg8: memref<32x128xi32, #tpu.memory_space<vmem>>, %arg9: memref<32x128xi32, #tpu.memory_space<vmem>>, %arg10: memref<1x128xi32, #tpu.memory_space<vmem>>) attributes {dimension_semantics = [], scalar_prefetch = 0 : i64, scratch_operands = 0 : i64, tpu.core_type = #tpu.core_type<tc>} {
    %get3A = arith.constant 0 : index
    %get3A_0 = arith.constant 0 : index
    %get3A_1 = vector.load %arg0[%get3A, %get3A_0] : memref<1024x1024xf32, #tpu.memory_space<vmem>>, vector<1024x1024xf32>
    %convert_element_type3A = arith.truncf %get3A_1 : vector<1024x1024xf32> to vector<1024x1024xbf16>
    %swap3A = arith.constant 0 : index
    %swap3A_2 = arith.constant 0 : index
    %swap3A_3 = vector.load %arg6[%swap3A, %swap3A_2] : memref<1024x1024xbf16, #tpu.memory_space<vmem>>, vector<1024x1024xbf16>
    tpu.vector_store %arg6[%swap3A, %swap3A_2], %convert_element_type3A {strides = array<i32>} : memref<1024x1024xbf16, #tpu.memory_space<vmem>>, vector<1024x1024xbf16>,
    %get3A_4 = arith.constant 0 : index
    %get3A_5 = arith.constant 0 : index
    %get3A_6 = vector.load %arg1[%get3A_4, %get3A_5] : memref<1024x16xf32, #tpu.memory_space<vmem>>, vector<1024x16xf32>
    %dot_general3A = arith.constant dense<0.000000e+00> : vector<1024x16xf32>
    %dot_general3A_7 = tpu.matmul %get3A_1, %get3A_6, %dot_general3A {dimension_numbers = #tpu.dot_dimension_numbers<[1], [0], [0], [1], [0, 0, 1, 1], [], []>, transpose_lhs_hint = false} : vector<1024x1024xf32>, vector<1024x16xf32>, vector<1024x16xf32> -> vector<1024x16xf32>
    %get3A_8 = arith.constant 0 : index
    %get3A_9 = arith.constant 0 : index
    %get3A_10 = vector.load %arg2[%get3A_8, %get3A_9] : memref<1x16xf32, #tpu.memory_space<vmem>>, vector<1x16xf32>
    %add3A = vector.broadcast %get3A_10 : vector<1x16xf32> to vector<1024x16xf32>
    %add3A_11 = arith.addf %dot_general3A_7, %add3A : vector<1024x16xf32>
    %iota3A = tpu.iota {dimensions = array<i32: 1>} : vector<1024x16xi32>
    %reduce_max3A = arith.constant dense<0xFF800000> : vector<1024xf32>
    %reduce_max3A_12 = vector.multi_reduction <maximumf>, %add3A_11, %reduce_max3A [1] : vector<1024x16xf32> to vector<1024xf32>
    %broadcast_in_dim3A = vector.shape_cast %reduce_max3A_12 : vector<1024xf32> to vector<1024x1xf32>
    %eq3A = vector.broadcast %broadcast_in_dim3A : vector<1024x1xf32> to vector<1024x16xf32>
    %eq3A_13 = arith.cmpf oeq, %add3A_11, %eq3A : vector<1024x16xf32>
    %jit3A = arith.constant 16 : i32
    %broadcast_in_dim3A_14 = vector.broadcast %jit3A : i32 to vector<1024x16xi32>
    %select_n3A = arith.select %eq3A_13, %iota3A, %broadcast_in_dim3A_14 : vector<1024x16xi1>, vector<1024x16xi32>
    %reduce_min3A = arith.constant dense<2147483647> : vector<1024xi32>
    %reduce_min3A_15 = vector.multi_reduction <minsi>, %select_n3A, %reduce_min3A [1] : vector<1024x16xi32> to vector<1024xi32>
    %broadcast_in_dim3A_16 = vector.shape_cast %reduce_min3A_15 : vector<1024xi32> to vector<1024x1xi32>
    %eq3A_17 = vector.broadcast %broadcast_in_dim3A_16 : vector<1024x1xi32> to vector<1024x16xi32>
    %eq3A_18 = arith.cmpi eq, %iota3A, %eq3A_17 : vector<1024x16xi32>
    %jit3A_19 = arith.constant 0xFF800000 : f32
    %broadcast_in_dim3A_20 = vector.broadcast %jit3A_19 : f32 to vector<1024x16xf32>
    %select_n3A_21 = arith.select %eq3A_18, %broadcast_in_dim3A_20, %add3A_11 : vector<1024x16xi1>, vector<1024x16xf32>
    %reduce_max3A_22 = arith.constant dense<0xFF800000> : vector<1024xf32>
    %reduce_max3A_23 = vector.multi_reduction <maximumf>, %select_n3A_21, %reduce_max3A_22 [1] : vector<1024x16xf32> to vector<1024xf32>
    %broadcast_in_dim3A_24 = vector.shape_cast %reduce_max3A_23 : vector<1024xf32> to vector<1024x1xf32>
    %eq3A_25 = vector.broadcast %broadcast_in_dim3A_24 : vector<1024x1xf32> to vector<1024x16xf32>
    %eq3A_26 = arith.cmpf oeq, %select_n3A_21, %eq3A_25 : vector<1024x16xf32>
    %jit3A_27 = arith.constant 16 : i32
    %broadcast_in_dim3A_28 = vector.broadcast %jit3A_27 : i32 to vector<1024x16xi32>
    %select_n3A_29 = arith.select %eq3A_26, %iota3A, %broadcast_in_dim3A_28 : vector<1024x16xi1>, vector<1024x16xi32>
    %reduce_min3A_30 = arith.constant dense<2147483647> : vector<1024xi32>
    %reduce_min3A_31 = vector.multi_reduction <minsi>, %select_n3A_29, %reduce_min3A_30 [1] : vector<1024x16xi32> to vector<1024xi32>
    %broadcast_in_dim3A_32 = vector.shape_cast %reduce_min3A_31 : vector<1024xi32> to vector<1024x1xi32>
    %sub3A = arith.subf %broadcast_in_dim3A_24, %broadcast_in_dim3A : vector<1024x1xf32>
    %exp3A = math.exp %sub3A : vector<1024x1xf32>
    %add3A_33 = arith.constant 1.000000e+00 : f32
    %add3A_34 = vector.broadcast %add3A_33 : f32 to vector<1024x1xf32>
    %add3A_35 = arith.addf %add3A_34, %exp3A : vector<1024x1xf32>
    %div3A = arith.constant 1.000000e+00 : f32
    %div3A_36 = vector.broadcast %div3A : f32 to vector<1024x1xf32>
    %div3A_37 = arith.divf %div3A_36, %add3A_35 : vector<1024x1xf32>
    %div3A_38 = arith.divf %exp3A, %add3A_35 : vector<1024x1xf32>
    %concatenate3A = tpu.concatenate %div3A_37, %div3A_38 in 1 : vector<1024x1xf32>, vector<1024x1xf32> -> vector<1024x2xf32>
    %swap3A_39 = arith.constant 0 : index
    %swap3A_40 = arith.constant 0 : index
    %swap3A_41 = vector.load %arg3[%swap3A_39, %swap3A_40] : memref<1024x2xf32, #tpu.memory_space<vmem>>, vector<1024x2xf32>
    tpu.vector_store %arg3[%swap3A_39, %swap3A_40], %concatenate3A {strides = array<i32>} : memref<1024x2xf32, #tpu.memory_space<vmem>>, vector<1024x2xf32>,
    %eq3A_42 = vector.broadcast %broadcast_in_dim3A_16 : vector<1024x1xi32> to vector<1024x16xi32>
    %eq3A_43 = arith.cmpi eq, %iota3A, %eq3A_42 : vector<1024x16xi32>
    %convert_element_type3A_44 = arith.extui %eq3A_43 : vector<1024x16xi1> to vector<1024x16xi32>
    %convert_element_type3A_45 = arith.sitofp %convert_element_type3A_44 : vector<1024x16xi32> to vector<1024x16xf32>
    %eq3A_46 = vector.broadcast %broadcast_in_dim3A_32 : vector<1024x1xi32> to vector<1024x16xi32>
    %eq3A_47 = arith.cmpi eq, %iota3A, %eq3A_46 : vector<1024x16xi32>
    %convert_element_type3A_48 = arith.extui %eq3A_47 : vector<1024x16xi1> to vector<1024x16xi32>
    %convert_element_type3A_49 = arith.sitofp %convert_element_type3A_48 : vector<1024x16xi32> to vector<1024x16xf32>
    %iota3A_50 = tpu.iota {dimensions = array<i32: 0>} : vector<256x256xi32>
    %iota3A_51 = tpu.iota {dimensions = array<i32: 1>} : vector<256x256xi32>
    %lt3A = arith.cmpi slt, %iota3A_51, %iota3A_50 : vector<256x256xi32>
    %convert_element_type3A_52 = arith.extui %lt3A : vector<256x256xi1> to vector<256x256xi32>
    %convert_element_type3A_53 = arith.sitofp %convert_element_type3A_52 : vector<256x256xi32> to vector<256x256xf32>
    %broadcast_in_dim3A_54 = arith.constant 0.000000e+00 : f32
    %broadcast_in_dim3A_55 = vector.broadcast %broadcast_in_dim3A_54 : f32 to vector<1x16xf32>
    %slice3A = vector.extract_strided_slice %convert_element_type3A_45 {offsets = [0, 0], sizes = [256, 16], strides = [1, 1]} : vector<1024x16xf32> to vector<256x16xf32>
    %dot_general3A_56 = arith.constant dense<0.000000e+00> : vector<256x16xf32>
    %dot_general3A_57 = tpu.matmul %convert_element_type3A_53, %slice3A, %dot_general3A_56 {dimension_numbers = #tpu.dot_dimension_numbers<[1], [0], [0], [1], [0, 0, 1, 1], [], []>, transpose_lhs_hint = false} : vector<256x256xf32>, vector<256x16xf32>, vector<256x16xf32> -> vector<256x16xf32>
    %add3A_58 = vector.broadcast %broadcast_in_dim3A_55 : vector<1x16xf32> to vector<256x16xf32>
    %add3A_59 = arith.addf %dot_general3A_57, %add3A_58 : vector<256x16xf32>
    %mul3A = arith.mulf %add3A_59, %slice3A : vector<256x16xf32>
    %reduce_sum3A = arith.constant dense<0.000000e+00> : vector<256xf32>
    %reduce_sum3A_60 = vector.multi_reduction <add>, %mul3A, %reduce_sum3A [1] : vector<256x16xf32> to vector<256xf32>
    %broadcast_in_dim3A_61 = vector.shape_cast %reduce_sum3A_60 : vector<256xf32> to vector<256x1xf32>
    %reduce_sum3A_62 = arith.constant dense<0.000000e+00> : vector<16xf32>
    %reduce_sum3A_63 = vector.multi_reduction <add>, %slice3A, %reduce_sum3A_62 [0] : vector<256x16xf32> to vector<16xf32>
    %broadcast_in_dim3A_64 = vector.shape_cast %reduce_sum3A_63 : vector<16xf32> to vector<1x16xf32>
    %add3A_65 = arith.addf %broadcast_in_dim3A_55, %broadcast_in_dim3A_64 : vector<1x16xf32>
    %slice3A_66 = vector.extract_strided_slice %convert_element_type3A_45 {offsets = [256, 0], sizes = [256, 16], strides = [1, 1]} : vector<1024x16xf32> to vector<256x16xf32>
    %dot_general3A_67 = arith.constant dense<0.000000e+00> : vector<256x16xf32>
    %dot_general3A_68 = tpu.matmul %convert_element_type3A_53, %slice3A_66, %dot_general3A_67 {dimension_numbers = #tpu.dot_dimension_numbers<[1], [0], [0], [1], [0, 0, 1, 1], [], []>, transpose_lhs_hint = false} : vector<256x256xf32>, vector<256x16xf32>, vector<256x16xf32> -> vector<256x16xf32>
    %add3A_69 = vector.broadcast %add3A_65 : vector<1x16xf32> to vector<256x16xf32>
    %add3A_70 = arith.addf %dot_general3A_68, %add3A_69 : vector<256x16xf32>
    %mul3A_71 = arith.mulf %add3A_70, %slice3A_66 : vector<256x16xf32>
    %reduce_sum3A_72 = arith.constant dense<0.000000e+00> : vector<256xf32>
    %reduce_sum3A_73 = vector.multi_reduction <add>, %mul3A_71, %reduce_sum3A_72 [1] : vector<256x16xf32> to vector<256xf32>
    %broadcast_in_dim3A_74 = vector.shape_cast %reduce_sum3A_73 : vector<256xf32> to vector<256x1xf32>
    %reduce_sum3A_75 = arith.constant dense<0.000000e+00> : vector<16xf32>
    %reduce_sum3A_76 = vector.multi_reduction <add>, %slice3A_66, %reduce_sum3A_75 [0] : vector<256x16xf32> to vector<16xf32>
    %broadcast_in_dim3A_77 = vector.shape_cast %reduce_sum3A_76 : vector<16xf32> to vector<1x16xf32>
    %add3A_78 = arith.addf %add3A_65, %broadcast_in_dim3A_77 : vector<1x16xf32>
    %slice3A_79 = vector.extract_strided_slice %convert_element_type3A_45 {offsets = [512, 0], sizes = [256, 16], strides = [1, 1]} : vector<1024x16xf32> to vector<256x16xf32>
    %dot_general3A_80 = arith.constant dense<0.000000e+00> : vector<256x16xf32>
    %dot_general3A_81 = tpu.matmul %convert_element_type3A_53, %slice3A_79, %dot_general3A_80 {dimension_numbers = #tpu.dot_dimension_numbers<[1], [0], [0], [1], [0, 0, 1, 1], [], []>, transpose_lhs_hint = false} : vector<256x256xf32>, vector<256x16xf32>, vector<256x16xf32> -> vector<256x16xf32>
    %add3A_82 = vector.broadcast %add3A_78 : vector<1x16xf32> to vector<256x16xf32>
    %add3A_83 = arith.addf %dot_general3A_81, %add3A_82 : vector<256x16xf32>
    %mul3A_84 = arith.mulf %add3A_83, %slice3A_79 : vector<256x16xf32>
    %reduce_sum3A_85 = arith.constant dense<0.000000e+00> : vector<256xf32>
    %reduce_sum3A_86 = vector.multi_reduction <add>, %mul3A_84, %reduce_sum3A_85 [1] : vector<256x16xf32> to vector<256xf32>
    %broadcast_in_dim3A_87 = vector.shape_cast %reduce_sum3A_86 : vector<256xf32> to vector<256x1xf32>
    %reduce_sum3A_88 = arith.constant dense<0.000000e+00> : vector<16xf32>
    %reduce_sum3A_89 = vector.multi_reduction <add>, %slice3A_79, %reduce_sum3A_88 [0] : vector<256x16xf32> to vector<16xf32>
    %broadcast_in_dim3A_90 = vector.shape_cast %reduce_sum3A_89 : vector<16xf32> to vector<1x16xf32>
    %add3A_91 = arith.addf %add3A_78, %broadcast_in_dim3A_90 : vector<1x16xf32>
    %slice3A_92 = vector.extract_strided_slice %convert_element_type3A_45 {offsets = [768, 0], sizes = [256, 16], strides = [1, 1]} : vector<1024x16xf32> to vector<256x16xf32>
    %dot_general3A_93 = arith.constant dense<0.000000e+00> : vector<256x16xf32>
    %dot_general3A_94 = tpu.matmul %convert_element_type3A_53, %slice3A_92, %dot_general3A_93 {dimension_numbers = #tpu.dot_dimension_numbers<[1], [0], [0], [1], [0, 0, 1, 1], [], []>, transpose_lhs_hint = false} : vector<256x256xf32>, vector<256x16xf32>, vector<256x16xf32> -> vector<256x16xf32>
    %add3A_95 = vector.broadcast %add3A_91 : vector<1x16xf32> to vector<256x16xf32>
    %add3A_96 = arith.addf %dot_general3A_94, %add3A_95 : vector<256x16xf32>
    %mul3A_97 = arith.mulf %add3A_96, %slice3A_92 : vector<256x16xf32>
    %reduce_sum3A_98 = arith.constant dense<0.000000e+00> : vector<256xf32>
    %reduce_sum3A_99 = vector.multi_reduction <add>, %mul3A_97, %reduce_sum3A_98 [1] : vector<256x16xf32> to vector<256xf32>
    %broadcast_in_dim3A_100 = vector.shape_cast %reduce_sum3A_99 : vector<256xf32> to vector<256x1xf32>
    %reduce_sum3A_101 = arith.constant dense<0.000000e+00> : vector<16xf32>
    %reduce_sum3A_102 = vector.multi_reduction <add>, %slice3A_92, %reduce_sum3A_101 [0] : vector<256x16xf32> to vector<16xf32>
    %broadcast_in_dim3A_103 = vector.shape_cast %reduce_sum3A_102 : vector<16xf32> to vector<1x16xf32>
    %add3A_104 = arith.addf %add3A_91, %broadcast_in_dim3A_103 : vector<1x16xf32>
    %concatenate3A_105 = tpu.concatenate %broadcast_in_dim3A_61, %broadcast_in_dim3A_74, %broadcast_in_dim3A_87, %broadcast_in_dim3A_100 in 0 : vector<256x1xf32>, vector<256x1xf32>, vector<256x1xf32>, vector<256x1xf32> -> vector<1024x1xf32>
    %slice3A_106 = vector.extract_strided_slice %convert_element_type3A_49 {offsets = [0, 0], sizes = [256, 16], strides = [1, 1]} : vector<1024x16xf32> to vector<256x16xf32>
    %dot_general3A_107 = arith.constant dense<0.000000e+00> : vector<256x16xf32>
    %dot_general3A_108 = tpu.matmul %convert_element_type3A_53, %slice3A_106, %dot_general3A_107 {dimension_numbers = #tpu.dot_dimension_numbers<[1], [0], [0], [1], [0, 0, 1, 1], [], []>, transpose_lhs_hint = false} : vector<256x256xf32>, vector<256x16xf32>, vector<256x16xf32> -> vector<256x16xf32>
    %add3A_109 = vector.broadcast %add3A_104 : vector<1x16xf32> to vector<256x16xf32>
    %add3A_110 = arith.addf %dot_general3A_108, %add3A_109 : vector<256x16xf32>
    %mul3A_111 = arith.mulf %add3A_110, %slice3A_106 : vector<256x16xf32>
    %reduce_sum3A_112 = arith.constant dense<0.000000e+00> : vector<256xf32>
    %reduce_sum3A_113 = vector.multi_reduction <add>, %mul3A_111, %reduce_sum3A_112 [1] : vector<256x16xf32> to vector<256xf32>
    %broadcast_in_dim3A_114 = vector.shape_cast %reduce_sum3A_113 : vector<256xf32> to vector<256x1xf32>
    %reduce_sum3A_115 = arith.constant dense<0.000000e+00> : vector<16xf32>
    %reduce_sum3A_116 = vector.multi_reduction <add>, %slice3A_106, %reduce_sum3A_115 [0] : vector<256x16xf32> to vector<16xf32>
    %broadcast_in_dim3A_117 = vector.shape_cast %reduce_sum3A_116 : vector<16xf32> to vector<1x16xf32>
    %add3A_118 = arith.addf %add3A_104, %broadcast_in_dim3A_117 : vector<1x16xf32>
    %slice3A_119 = vector.extract_strided_slice %convert_element_type3A_49 {offsets = [256, 0], sizes = [256, 16], strides = [1, 1]} : vector<1024x16xf32> to vector<256x16xf32>
    %dot_general3A_120 = arith.constant dense<0.000000e+00> : vector<256x16xf32>
    %dot_general3A_121 = tpu.matmul %convert_element_type3A_53, %slice3A_119, %dot_general3A_120 {dimension_numbers = #tpu.dot_dimension_numbers<[1], [0], [0], [1], [0, 0, 1, 1], [], []>, transpose_lhs_hint = false} : vector<256x256xf32>, vector<256x16xf32>, vector<256x16xf32> -> vector<256x16xf32>
    %add3A_122 = vector.broadcast %add3A_118 : vector<1x16xf32> to vector<256x16xf32>
    %add3A_123 = arith.addf %dot_general3A_121, %add3A_122 : vector<256x16xf32>
    %mul3A_124 = arith.mulf %add3A_123, %slice3A_119 : vector<256x16xf32>
    %reduce_sum3A_125 = arith.constant dense<0.000000e+00> : vector<256xf32>
    %reduce_sum3A_126 = vector.multi_reduction <add>, %mul3A_124, %reduce_sum3A_125 [1] : vector<256x16xf32> to vector<256xf32>
    %broadcast_in_dim3A_127 = vector.shape_cast %reduce_sum3A_126 : vector<256xf32> to vector<256x1xf32>
    %reduce_sum3A_128 = arith.constant dense<0.000000e+00> : vector<16xf32>
    %reduce_sum3A_129 = vector.multi_reduction <add>, %slice3A_119, %reduce_sum3A_128 [0] : vector<256x16xf32> to vector<16xf32>
    %broadcast_in_dim3A_130 = vector.shape_cast %reduce_sum3A_129 : vector<16xf32> to vector<1x16xf32>
    %add3A_131 = arith.addf %add3A_118, %broadcast_in_dim3A_130 : vector<1x16xf32>
    %slice3A_132 = vector.extract_strided_slice %convert_element_type3A_49 {offsets = [512, 0], sizes = [256, 16], strides = [1, 1]} : vector<1024x16xf32> to vector<256x16xf32>
    %dot_general3A_133 = arith.constant dense<0.000000e+00> : vector<256x16xf32>
    %dot_general3A_134 = tpu.matmul %convert_element_type3A_53, %slice3A_132, %dot_general3A_133 {dimension_numbers = #tpu.dot_dimension_numbers<[1], [0], [0], [1], [0, 0, 1, 1], [], []>, transpose_lhs_hint = false} : vector<256x256xf32>, vector<256x16xf32>, vector<256x16xf32> -> vector<256x16xf32>
    %add3A_135 = vector.broadcast %add3A_131 : vector<1x16xf32> to vector<256x16xf32>
    %add3A_136 = arith.addf %dot_general3A_134, %add3A_135 : vector<256x16xf32>
    %mul3A_137 = arith.mulf %add3A_136, %slice3A_132 : vector<256x16xf32>
    %reduce_sum3A_138 = arith.constant dense<0.000000e+00> : vector<256xf32>
    %reduce_sum3A_139 = vector.multi_reduction <add>, %mul3A_137, %reduce_sum3A_138 [1] : vector<256x16xf32> to vector<256xf32>
    %broadcast_in_dim3A_140 = vector.shape_cast %reduce_sum3A_139 : vector<256xf32> to vector<256x1xf32>
    %reduce_sum3A_141 = arith.constant dense<0.000000e+00> : vector<16xf32>
    %reduce_sum3A_142 = vector.multi_reduction <add>, %slice3A_132, %reduce_sum3A_141 [0] : vector<256x16xf32> to vector<16xf32>
    %broadcast_in_dim3A_143 = vector.shape_cast %reduce_sum3A_142 : vector<16xf32> to vector<1x16xf32>
    %add3A_144 = arith.addf %add3A_131, %broadcast_in_dim3A_143 : vector<1x16xf32>
    %slice3A_145 = vector.extract_strided_slice %convert_element_type3A_49 {offsets = [768, 0], sizes = [256, 16], strides = [1, 1]} : vector<1024x16xf32> to vector<256x16xf32>
    %dot_general3A_146 = arith.constant dense<0.000000e+00> : vector<256x16xf32>
    %dot_general3A_147 = tpu.matmul %convert_element_type3A_53, %slice3A_145, %dot_general3A_146 {dimension_numbers = #tpu.dot_dimension_numbers<[1], [0], [0], [1], [0, 0, 1, 1], [], []>, transpose_lhs_hint = false} : vector<256x256xf32>, vector<256x16xf32>, vector<256x16xf32> -> vector<256x16xf32>
    %add3A_148 = vector.broadcast %add3A_144 : vector<1x16xf32> to vector<256x16xf32>
    %add3A_149 = arith.addf %dot_general3A_147, %add3A_148 : vector<256x16xf32>
    %mul3A_150 = arith.mulf %add3A_149, %slice3A_145 : vector<256x16xf32>
    %reduce_sum3A_151 = arith.constant dense<0.000000e+00> : vector<256xf32>
    %reduce_sum3A_152 = vector.multi_reduction <add>, %mul3A_150, %reduce_sum3A_151 [1] : vector<256x16xf32> to vector<256xf32>
    %broadcast_in_dim3A_153 = vector.shape_cast %reduce_sum3A_152 : vector<256xf32> to vector<256x1xf32>
    %reduce_sum3A_154 = arith.constant dense<0.000000e+00> : vector<16xf32>
    %reduce_sum3A_155 = vector.multi_reduction <add>, %slice3A_145, %reduce_sum3A_154 [0] : vector<256x16xf32> to vector<16xf32>
    %broadcast_in_dim3A_156 = vector.shape_cast %reduce_sum3A_155 : vector<16xf32> to vector<1x16xf32>
    %add3A_157 = arith.addf %add3A_144, %broadcast_in_dim3A_156 : vector<1x16xf32>
    %concatenate3A_158 = tpu.concatenate %broadcast_in_dim3A_114, %broadcast_in_dim3A_127, %broadcast_in_dim3A_140, %broadcast_in_dim3A_153 in 0 : vector<256x1xf32>, vector<256x1xf32>, vector<256x1xf32>, vector<256x1xf32> -> vector<1024x1xf32>
    %convert_element_type3A_159 = arith.fptosi %add3A_157 : vector<1x16xf32> to vector<1x16xi32>
    %add3A_160 = arith.constant 128 : i32
    %add3A_161 = vector.broadcast %add3A_160 : i32 to vector<1x16xi32>
    %add3A_162 = arith.addi %convert_element_type3A_159, %add3A_161 : vector<1x16xi32>
    %sub3A_163 = arith.constant 1 : i32
    %sub3A_164 = vector.broadcast %sub3A_163 : i32 to vector<1x16xi32>
    %sub3A_165 = arith.subi %add3A_162, %sub3A_164 : vector<1x16xi32>
    %jit3A_166 = arith.constant 128 : i32
    %div3A_167 = vector.broadcast %jit3A_166 : i32 to vector<1x16xi32>
    %div3A_168 = arith.divsi %sub3A_165, %div3A_167 : vector<1x16xi32>
    %sign3A = arith.constant 0 : i32
    %sign3A_169 = vector.broadcast %sign3A : i32 to vector<1x16xi32>
    %sign3A_170 = arith.cmpi sgt, %sub3A_165, %sign3A_169 : vector<1x16xi32>
    %sign3A_171 = arith.extui %sign3A_170 : vector<1x16xi1> to vector<1x16xi32>
    %sign3A_172 = arith.constant 0 : i32
    %sign3A_173 = vector.broadcast %sign3A_172 : i32 to vector<1x16xi32>
    %sign3A_174 = arith.cmpi slt, %sub3A_165, %sign3A_173 : vector<1x16xi32>
    %sign3A_175 = arith.extui %sign3A_174 : vector<1x16xi1> to vector<1x16xi32>
    %sign3A_176 = arith.subi %sign3A_171, %sign3A_175 : vector<1x16xi32>
    %sign3A_177 = arith.constant 0 : i32
    %sign3A_178 = arith.cmpi sgt, %jit3A_166, %sign3A_177 : i32
    %sign3A_179 = arith.extui %sign3A_178 : i1 to i32
    %sign3A_180 = arith.constant 0 : i32
    %sign3A_181 = arith.cmpi slt, %jit3A_166, %sign3A_180 : i32
    %sign3A_182 = arith.extui %sign3A_181 : i1 to i32
    %sign3A_183 = arith.subi %sign3A_179, %sign3A_182 : i32
    %ne3A = vector.broadcast %sign3A_183 : i32 to vector<1x16xi32>
    %ne3A_184 = arith.cmpi ne, %sign3A_176, %ne3A : vector<1x16xi32>
    %rem3A = vector.broadcast %jit3A_166 : i32 to vector<1x16xi32>
    %rem3A_185 = arith.remsi %sub3A_165, %rem3A : vector<1x16xi32>
    %ne3A_186 = arith.constant 0 : i32
    %ne3A_187 = vector.broadcast %ne3A_186 : i32 to vector<1x16xi32>
    %ne3A_188 = arith.cmpi ne, %rem3A_185, %ne3A_187 : vector<1x16xi32>
    %and3A = arith.andi %ne3A_184, %ne3A_188 : vector<1x16xi1>
    %sub3A_189 = arith.constant 1 : i32
    %sub3A_190 = vector.broadcast %sub3A_189 : i32 to vector<1x16xi32>
    %sub3A_191 = arith.subi %div3A_168, %sub3A_190 : vector<1x16xi32>
    %select_n3A_192 = arith.select %and3A, %sub3A_191, %div3A_168 : vector<1x16xi1>, vector<1x16xi32>
    %mul3A_193 = arith.constant 128 : i32
    %mul3A_194 = vector.broadcast %mul3A_193 : i32 to vector<1x16xi32>
    %mul3A_195 = arith.muli %select_n3A_192, %mul3A_194 : vector<1x16xi32>
    %iota3A_196 = tpu.iota {dimensions = array<i32: 0>} : vector<16x16xi32>
    %iota3A_197 = tpu.iota {dimensions = array<i32: 1>} : vector<16x16xi32>
    %lt3A_198 = arith.cmpi slt, %iota3A_196, %iota3A_197 : vector<16x16xi32>
    %convert_element_type3A_199 = arith.extui %lt3A_198 : vector<16x16xi1> to vector<16x16xi32>
    %convert_element_type3A_200 = arith.sitofp %convert_element_type3A_199 : vector<16x16xi32> to vector<16x16xf32>
    %convert_element_type3A_201 = arith.sitofp %mul3A_195 : vector<1x16xi32> to vector<1x16xf32>
    %dot_general3A_202 = arith.constant dense<0.000000e+00> : vector<1x16xf32>
    %dot_general3A_203 = tpu.matmul %convert_element_type3A_201, %convert_element_type3A_200, %dot_general3A_202 {dimension_numbers = #tpu.dot_dimension_numbers<[1], [0], [0], [1], [0, 0, 1, 1], [], []>, transpose_lhs_hint = false} : vector<1x16xf32>, vector<16x16xf32>, vector<1x16xf32> -> vector<1x16xf32>
    %mul3A_204 = vector.broadcast %dot_general3A_203 : vector<1x16xf32> to vector<1024x16xf32>
    %mul3A_205 = arith.mulf %mul3A_204, %convert_element_type3A_45 : vector<1024x16xf32>
    %reduce_sum3A_206 = arith.constant dense<0.000000e+00> : vector<1024xf32>
    %reduce_sum3A_207 = vector.multi_reduction <add>, %mul3A_205, %reduce_sum3A_206 [1] : vector<1024x16xf32> to vector<1024xf32>
    %broadcast_in_dim3A_208 = vector.shape_cast %reduce_sum3A_207 : vector<1024xf32> to vector<1024x1xf32>
    %add3A_209 = arith.addf %broadcast_in_dim3A_208, %concatenate3A_105 : vector<1024x1xf32>
    %mul3A_210 = vector.broadcast %dot_general3A_203 : vector<1x16xf32> to vector<1024x16xf32>
    %mul3A_211 = arith.mulf %mul3A_210, %convert_element_type3A_49 : vector<1024x16xf32>
    %reduce_sum3A_212 = arith.constant dense<0.000000e+00> : vector<1024xf32>
    %reduce_sum3A_213 = vector.multi_reduction <add>, %mul3A_211, %reduce_sum3A_212 [1] : vector<1024x16xf32> to vector<1024xf32>
    %broadcast_in_dim3A_214 = vector.shape_cast %reduce_sum3A_213 : vector<1024xf32> to vector<1024x1xf32>
    %add3A_215 = arith.addf %broadcast_in_dim3A_214, %concatenate3A_158 : vector<1024x1xf32>
    %concatenate3A_216 = tpu.concatenate %add3A_209, %add3A_215 in 1 : vector<1024x1xf32>, vector<1024x1xf32> -> vector<1024x2xf32>
    %convert_element_type3A_217 = arith.fptosi %concatenate3A_216 : vector<1024x2xf32> to vector<1024x2xi32>
    %swap3A_218 = arith.constant 0 : index
    %swap3A_219 = arith.constant 0 : index
    %swap3A_220 = vector.load %arg4[%swap3A_218, %swap3A_219] : memref<1024x2xi32, #tpu.memory_space<vmem>>, vector<1024x2xi32>
    tpu.vector_store %arg4[%swap3A_218, %swap3A_219], %convert_element_type3A_217 {strides = array<i32>} : memref<1024x2xi32, #tpu.memory_space<vmem>>, vector<1024x2xi32>,
    %transpose3A = tpu.transpose %convert_element_type3A_217, [1, 0] : vector<1024x2xi32> -> vector<2x1024xi32>
    %swap3A_221 = arith.constant 0 : index
    %swap3A_222 = arith.constant 0 : index
    %swap3A_223 = vector.load %arg5[%swap3A_221, %swap3A_222] : memref<2x1024xi32, #tpu.memory_space<vmem>>, vector<2x1024xi32>
    tpu.vector_store %arg5[%swap3A_221, %swap3A_222], %transpose3A {strides = array<i32>} : memref<2x1024xi32, #tpu.memory_space<vmem>>, vector<2x1024xi32>,
    %convert_element_type3A_224 = arith.sitofp %mul3A_195 : vector<1x16xi32> to vector<1x16xf32>
    %add3A_225 = arith.addf %dot_general3A_203, %convert_element_type3A_224 : vector<1x16xf32>
    %iota3A_226 = tpu.iota {dimensions = array<i32: 0>} : vector<32x16xi32>
    %convert_element_type3A_227 = arith.sitofp %iota3A_226 : vector<32x16xi32> to vector<32x16xf32>
    %mul3A_228 = arith.constant 1.280000e+02 : f32
    %mul3A_229 = vector.broadcast %mul3A_228 : f32 to vector<32x16xf32>
    %mul3A_230 = arith.mulf %convert_element_type3A_227, %mul3A_229 : vector<32x16xf32>
    %broadcast_in_dim3A_231 = vector.shape_cast %add3A_225 : vector<1x16xf32> to vector<1x16xf32>
    %broadcast_in_dim3A_232 = vector.broadcast %broadcast_in_dim3A_231 : vector<1x16xf32> to vector<32x16xf32>
    %ge3A = arith.cmpf oge, %mul3A_230, %broadcast_in_dim3A_232 : vector<32x16xf32>
    %convert_element_type3A_233 = arith.extui %ge3A : vector<32x16xi1> to vector<32x16xi32>
    %convert_element_type3A_234 = arith.sitofp %convert_element_type3A_233 : vector<32x16xi32> to vector<32x16xf32>
    %reduce_sum3A_235 = arith.constant dense<0.000000e+00> : vector<32xf32>
    %reduce_sum3A_236 = vector.multi_reduction <add>, %convert_element_type3A_234, %reduce_sum3A_235 [1] : vector<32x16xf32> to vector<32xf32>
    %broadcast_in_dim3A_237 = vector.shape_cast %reduce_sum3A_236 : vector<32xf32> to vector<32x1xf32>
    %min3A = arith.constant 1.500000e+01 : f32
    %min3A_238 = vector.broadcast %min3A : f32 to vector<32x1xf32>
    %min3A_239 = arith.minimumf %broadcast_in_dim3A_237, %min3A_238 : vector<32x1xf32>
    %convert_element_type3A_240 = arith.fptosi %min3A_239 : vector<32x1xf32> to vector<32x1xi32>
    %broadcast_in_dim3A_241 = vector.shape_cast %convert_element_type3A_240 : vector<32x1xi32> to vector<32x1xi32>
    %broadcast_in_dim3A_242 = vector.broadcast %broadcast_in_dim3A_241 : vector<32x1xi32> to vector<32x128xi32>
    %swap3A_243 = arith.constant 0 : index
    %swap3A_244 = arith.constant 0 : index
    %swap3A_245 = vector.load %arg7[%swap3A_243, %swap3A_244] : memref<32x128xi32, #tpu.memory_space<vmem>>, vector<32x128xi32>
    tpu.vector_store %arg7[%swap3A_243, %swap3A_244], %broadcast_in_dim3A_242 {strides = array<i32>} : memref<32x128xi32, #tpu.memory_space<vmem>>, vector<32x128xi32>,
    %slice3A_246 = vector.extract_strided_slice %min3A_239 {offsets = [0, 0], sizes = [1, 1], strides = [1, 1]} : vector<32x1xf32> to vector<1x1xf32>
    %slice3A_247 = vector.extract_strided_slice %min3A_239 {offsets = [0, 0], sizes = [31, 1], strides = [1, 1]} : vector<32x1xf32> to vector<31x1xf32>
    %concatenate3A_248 = tpu.concatenate %slice3A_246, %slice3A_247 in 0 : vector<1x1xf32>, vector<31x1xf32> -> vector<32x1xf32>
    %ne3A_249 = arith.cmpf one, %min3A_239, %concatenate3A_248 : vector<32x1xf32>
    %convert_element_type3A_250 = arith.extui %ne3A_249 : vector<32x1xi1> to vector<32x1xi32>
    %convert_element_type3A_251 = arith.sitofp %convert_element_type3A_250 : vector<32x1xi32> to vector<32x1xf32>
    %iota3A_252 = tpu.iota {dimensions = array<i32: 0>} : vector<32x32xi32>
    %iota3A_253 = tpu.iota {dimensions = array<i32: 1>} : vector<32x32xi32>
    %le3A = arith.cmpi sle, %iota3A_253, %iota3A_252 : vector<32x32xi32>
    %convert_element_type3A_254 = arith.extui %le3A : vector<32x32xi1> to vector<32x32xi32>
    %convert_element_type3A_255 = arith.sitofp %convert_element_type3A_254 : vector<32x32xi32> to vector<32x32xf32>
    %dot_general3A_256 = arith.constant dense<0.000000e+00> : vector<32x1xf32>
    %dot_general3A_257 = tpu.matmul %convert_element_type3A_255, %convert_element_type3A_251, %dot_general3A_256 {dimension_numbers = #tpu.dot_dimension_numbers<[1], [0], [0], [1], [0, 0, 1, 1], [], []>, transpose_lhs_hint = false} : vector<32x32xf32>, vector<32x1xf32>, vector<32x1xf32> -> vector<32x1xf32>
    %slice3A_258 = vector.extract_strided_slice %dot_general3A_257 {offsets = [31, 0], sizes = [1, 1], strides = [1, 1]} : vector<32x1xf32> to vector<1x1xf32>
    %add3A_259 = arith.constant 1.000000e+00 : f32
    %add3A_260 = vector.broadcast %add3A_259 : f32 to vector<1x1xf32>
    %add3A_261 = arith.addf %slice3A_258, %add3A_260 : vector<1x1xf32>
    %broadcast_in_dim3A_262 = arith.constant 1.000000e+00 : f32
    %broadcast_in_dim3A_263 = vector.broadcast %broadcast_in_dim3A_262 : f32 to vector<1x1xf32>
    %slice3A_264 = vector.extract_strided_slice %convert_element_type3A_251 {offsets = [1, 0], sizes = [31, 1], strides = [1, 1]} : vector<32x1xf32> to vector<31x1xf32>
    %concatenate3A_265 = tpu.concatenate %broadcast_in_dim3A_263, %slice3A_264 in 0 : vector<1x1xf32>, vector<31x1xf32> -> vector<32x1xf32>
    %transpose3A_266 = tpu.transpose %dot_general3A_257, [1, 0] : vector<32x1xf32> -> vector<1x32xf32>
    %transpose3A_267 = tpu.transpose %concatenate3A_265, [1, 0] : vector<32x1xf32> -> vector<1x32xf32>
    %convert_element_type3A_268 = arith.sitofp %iota3A_252 : vector<32x32xi32> to vector<32x32xf32>
    %broadcast_in_dim3A_269 = vector.shape_cast %transpose3A_266 : vector<1x32xf32> to vector<1x32xf32>
    %broadcast_in_dim3A_270 = vector.broadcast %broadcast_in_dim3A_269 : vector<1x32xf32> to vector<32x32xf32>
    %eq3A_271 = arith.cmpf oeq, %convert_element_type3A_268, %broadcast_in_dim3A_270 : vector<32x32xf32>
    %convert_element_type3A_272 = arith.extui %eq3A_271 : vector<32x32xi1> to vector<32x32xi32>
    %convert_element_type3A_273 = arith.sitofp %convert_element_type3A_272 : vector<32x32xi32> to vector<32x32xf32>
    %broadcast_in_dim3A_274 = vector.shape_cast %transpose3A_267 : vector<1x32xf32> to vector<1x32xf32>
    %broadcast_in_dim3A_275 = vector.broadcast %broadcast_in_dim3A_274 : vector<1x32xf32> to vector<32x32xf32>
    %mul3A_276 = arith.mulf %convert_element_type3A_273, %broadcast_in_dim3A_275 : vector<32x32xf32>
    %dot_general3A_277 = arith.constant dense<0.000000e+00> : vector<32x1xf32>
    %dot_general3A_278 = tpu.matmul %mul3A_276, %min3A_239, %dot_general3A_277 {dimension_numbers = #tpu.dot_dimension_numbers<[1], [0], [0], [1], [0, 0, 1, 1], [], []>, transpose_lhs_hint = false} : vector<32x32xf32>, vector<32x1xf32>, vector<32x1xf32> -> vector<32x1xf32>
    %convert_element_type3A_279 = arith.fptosi %dot_general3A_257 : vector<32x1xf32> to vector<32x1xi32>
    %broadcast_in_dim3A_280 = vector.shape_cast %convert_element_type3A_279 : vector<32x1xi32> to vector<32x1xi32>
    %broadcast_in_dim3A_281 = vector.broadcast %broadcast_in_dim3A_280 : vector<32x1xi32> to vector<32x128xi32>
    %swap3A_282 = arith.constant 0 : index
    %swap3A_283 = arith.constant 0 : index
    %swap3A_284 = vector.load %arg8[%swap3A_282, %swap3A_283] : memref<32x128xi32, #tpu.memory_space<vmem>>, vector<32x128xi32>
    tpu.vector_store %arg8[%swap3A_282, %swap3A_283], %broadcast_in_dim3A_281 {strides = array<i32>} : memref<32x128xi32, #tpu.memory_space<vmem>>, vector<32x128xi32>,
    %convert_element_type3A_285 = arith.fptosi %dot_general3A_278 : vector<32x1xf32> to vector<32x1xi32>
    %broadcast_in_dim3A_286 = vector.shape_cast %convert_element_type3A_285 : vector<32x1xi32> to vector<32x1xi32>
    %broadcast_in_dim3A_287 = vector.broadcast %broadcast_in_dim3A_286 : vector<32x1xi32> to vector<32x128xi32>
    %swap3A_288 = arith.constant 0 : index
    %swap3A_289 = arith.constant 0 : index
    %swap3A_290 = vector.load %arg9[%swap3A_288, %swap3A_289] : memref<32x128xi32, #tpu.memory_space<vmem>>, vector<32x128xi32>
    tpu.vector_store %arg9[%swap3A_288, %swap3A_289], %broadcast_in_dim3A_287 {strides = array<i32>} : memref<32x128xi32, #tpu.memory_space<vmem>>, vector<32x128xi32>,
    %convert_element_type3A_291 = arith.fptosi %add3A_261 : vector<1x1xf32> to vector<1x1xi32>
    %broadcast_in_dim3A_292 = vector.shape_cast %convert_element_type3A_291 : vector<1x1xi32> to vector<1x1xi32>
    %broadcast_in_dim3A_293 = vector.broadcast %broadcast_in_dim3A_292 : vector<1x1xi32> to vector<1x128xi32>
    %swap3A_294 = arith.constant 0 : index
    %swap3A_295 = arith.constant 0 : index
    %swap3A_296 = vector.load %arg10[%swap3A_294, %swap3A_295] : memref<1x128xi32, #tpu.memory_space<vmem>>, vector<1x128xi32>
    tpu.vector_store %arg10[%swap3A_294, %swap3A_295], %broadcast_in_dim3A_293 {strides = array<i32>} : memref<1x128xi32, #tpu.memory_space<vmem>>, vector<1x128xi32>,
    return
  }
}

module attributes {stable_mosaic.version = 14 : i64} {
  func.func @_final_body(%arg0: i32, %arg1: memref<256x1024xbf16, #tpu.memory_space<vmem>>, %arg2: memref<1024x2048xf32, #tpu.memory_space<vmem>>, %arg3: memref<1x2048xf32, #tpu.memory_space<vmem>>, %arg4: memref<2048x1024xf32, #tpu.memory_space<vmem>>, %arg5: memref<1x1024xf32, #tpu.memory_space<vmem>>, %arg6: memref<256x1024xf32, #tpu.memory_space<vmem>>, %arg7: memref<256x128xf32, #tpu.memory_space<vmem>>, %arg8: memref<1024x1xf32, #tpu.memory_space<vmem>>, %arg9: memref<1x1xf32, #tpu.memory_space<vmem>>, %arg10: memref<1024x128xf32, #tpu.memory_space<vmem>>, %arg11: memref<1x128xf32, #tpu.memory_space<vmem>>, %arg12: memref<256x1xf32, #tpu.memory_space<vmem>>) attributes {dimension_semantics = [#tpu.dimension_semantics<arbitrary>], iteration_bounds = array<i64: 4>, scalar_prefetch = 0 : i64, scratch_operands = 0 : i64, tpu.core_type = #tpu.core_type<tc>, window_params = [{transform_indices = @transform_0, window_bounds = array<i64: 256, 1024>}, {pipeline_mode = #tpu.pipeline_mode<synchronous>, transform_indices = @transform_1, window_bounds = array<i64: 1024, 2048>}, {pipeline_mode = #tpu.pipeline_mode<synchronous>, transform_indices = @transform_2, window_bounds = array<i64: 1, 2048>}, {pipeline_mode = #tpu.pipeline_mode<synchronous>, transform_indices = @transform_3, window_bounds = array<i64: 2048, 1024>}, {pipeline_mode = #tpu.pipeline_mode<synchronous>, transform_indices = @transform_4, window_bounds = array<i64: 1, 1024>}, {transform_indices = @transform_5, window_bounds = array<i64: 256, 1024>}, {transform_indices = @transform_6, window_bounds = array<i64: 256, 128>}, {pipeline_mode = #tpu.pipeline_mode<synchronous>, transform_indices = @transform_7, window_bounds = array<i64: 1024, 1>}, {pipeline_mode = #tpu.pipeline_mode<synchronous>, transform_indices = @transform_8, window_bounds = array<i64: 1, 1>}, {pipeline_mode = #tpu.pipeline_mode<synchronous>, transform_indices = @transform_9, window_bounds = array<i64: 1024, 128>}, {pipeline_mode = #tpu.pipeline_mode<synchronous>, transform_indices = @transform_10, window_bounds = array<i64: 1, 128>}, {transform_indices = @transform_11, window_bounds = array<i64: 256, 1>}]} {
    %get3A = arith.constant 0 : index
    %get3A_0 = arith.constant 0 : index
    %get3A_1 = vector.load %arg1[%get3A, %get3A_0] : memref<256x1024xbf16, #tpu.memory_space<vmem>>, vector<256x1024xbf16>
    %get3A_2 = arith.constant 0 : index
    %get3A_3 = arith.constant 0 : index
    %get3A_4 = vector.load %arg2[%get3A_2, %get3A_3] : memref<1024x2048xf32, #tpu.memory_space<vmem>>, vector<1024x2048xf32>
    %convert_element_type3A = arith.truncf %get3A_4 : vector<1024x2048xf32> to vector<1024x2048xbf16>
    %dot_general3A = arith.constant dense<0.000000e+00> : vector<256x2048xf32>
    %dot_general3A_5 = tpu.matmul %get3A_1, %convert_element_type3A, %dot_general3A {dimension_numbers = #tpu.dot_dimension_numbers<[1], [0], [0], [1], [0, 0, 1, 1], [], []>, transpose_lhs_hint = false} : vector<256x1024xbf16>, vector<1024x2048xbf16>, vector<256x2048xf32> -> vector<256x2048xf32>
    %get3A_6 = arith.constant 0 : index
    %get3A_7 = arith.constant 0 : index
    %get3A_8 = vector.load %arg3[%get3A_6, %get3A_7] : memref<1x2048xf32, #tpu.memory_space<vmem>>, vector<1x2048xf32>
    %add3A = vector.broadcast %get3A_8 : vector<1x2048xf32> to vector<256x2048xf32>
    %add3A_9 = arith.addf %dot_general3A_5, %add3A : vector<256x2048xf32>
    %max3A = arith.constant 0.000000e+00 : f32
    %max3A_10 = vector.broadcast %max3A : f32 to vector<256x2048xf32>
    %max3A_11 = arith.maximumf %add3A_9, %max3A_10 : vector<256x2048xf32>
    %convert_element_type3A_12 = arith.truncf %max3A_11 : vector<256x2048xf32> to vector<256x2048xbf16>
    %get3A_13 = arith.constant 0 : index
    %get3A_14 = arith.constant 0 : index
    %get3A_15 = vector.load %arg4[%get3A_13, %get3A_14] : memref<2048x1024xf32, #tpu.memory_space<vmem>>, vector<2048x1024xf32>
    %convert_element_type3A_16 = arith.truncf %get3A_15 : vector<2048x1024xf32> to vector<2048x1024xbf16>
    %dot_general3A_17 = arith.constant dense<0.000000e+00> : vector<256x1024xf32>
    %dot_general3A_18 = tpu.matmul %convert_element_type3A_12, %convert_element_type3A_16, %dot_general3A_17 {dimension_numbers = #tpu.dot_dimension_numbers<[1], [0], [0], [1], [0, 0, 1, 1], [], []>, transpose_lhs_hint = false} : vector<256x2048xbf16>, vector<2048x1024xbf16>, vector<256x1024xf32> -> vector<256x1024xf32>
    %get3A_19 = arith.constant 0 : index
    %get3A_20 = arith.constant 0 : index
    %get3A_21 = vector.load %arg5[%get3A_19, %get3A_20] : memref<1x1024xf32, #tpu.memory_space<vmem>>, vector<1x1024xf32>
    %add3A_22 = vector.broadcast %get3A_21 : vector<1x1024xf32> to vector<256x1024xf32>
    %add3A_23 = arith.addf %dot_general3A_18, %add3A_22 : vector<256x1024xf32>
    %get3A_24 = arith.constant 0 : index
    %get3A_25 = arith.constant 0 : index
    %get3A_26 = vector.load %arg6[%get3A_24, %get3A_25] : memref<256x1024xf32, #tpu.memory_space<vmem>>, vector<256x1024xf32>
    %add3A_27 = arith.addf %add3A_23, %get3A_26 : vector<256x1024xf32>
    %get3A_28 = arith.constant 0 : index
    %get3A_29 = arith.constant 0 : index
    %get3A_30 = vector.load %arg8[%get3A_28, %get3A_29] : memref<1024x1xf32, #tpu.memory_space<vmem>>, vector<1024x1xf32>
    %dot_general3A_31 = arith.constant dense<0.000000e+00> : vector<256x1xf32>
    %dot_general3A_32 = tpu.matmul %add3A_27, %get3A_30, %dot_general3A_31 {dimension_numbers = #tpu.dot_dimension_numbers<[1], [0], [0], [1], [0, 0, 1, 1], [], []>, transpose_lhs_hint = false} : vector<256x1024xf32>, vector<1024x1xf32>, vector<256x1xf32> -> vector<256x1xf32>
    %get3A_33 = arith.constant 0 : index
    %get3A_34 = arith.constant 0 : index
    %get3A_35 = vector.load %arg9[%get3A_33, %get3A_34] : memref<1x1xf32, #tpu.memory_space<vmem>>, vector<1x1xf32>
    %add3A_36 = vector.broadcast %get3A_35 : vector<1x1xf32> to vector<256x1xf32>
    %add3A_37 = arith.addf %dot_general3A_32, %add3A_36 : vector<256x1xf32>
    %get3A_38 = arith.constant 0 : index
    %get3A_39 = arith.constant 0 : index
    %get3A_40 = vector.load %arg10[%get3A_38, %get3A_39] : memref<1024x128xf32, #tpu.memory_space<vmem>>, vector<1024x128xf32>
    %dot_general3A_41 = arith.constant dense<0.000000e+00> : vector<256x128xf32>
    %dot_general3A_42 = tpu.matmul %add3A_27, %get3A_40, %dot_general3A_41 {dimension_numbers = #tpu.dot_dimension_numbers<[1], [0], [0], [1], [0, 0, 1, 1], [], []>, transpose_lhs_hint = false} : vector<256x1024xf32>, vector<1024x128xf32>, vector<256x128xf32> -> vector<256x128xf32>
    %get3A_43 = arith.constant 0 : index
    %get3A_44 = arith.constant 0 : index
    %get3A_45 = vector.load %arg11[%get3A_43, %get3A_44] : memref<1x128xf32, #tpu.memory_space<vmem>>, vector<1x128xf32>
    %add3A_46 = vector.broadcast %get3A_45 : vector<1x128xf32> to vector<256x128xf32>
    %add3A_47 = arith.addf %dot_general3A_42, %add3A_46 : vector<256x128xf32>
    %get3A_48 = arith.constant 0 : index
    %get3A_49 = arith.constant 0 : index
    %get3A_50 = vector.load %arg7[%get3A_48, %get3A_49] : memref<256x128xf32, #tpu.memory_space<vmem>>, vector<256x128xf32>
    %mul3A = arith.mulf %add3A_47, %get3A_50 : vector<256x128xf32>
    %reduce_sum3A = arith.constant dense<0.000000e+00> : vector<256xf32>
    %reduce_sum3A_51 = vector.multi_reduction <add>, %mul3A, %reduce_sum3A [1] : vector<256x128xf32> to vector<256xf32>
    %broadcast_in_dim3A = vector.shape_cast %reduce_sum3A_51 : vector<256xf32> to vector<256x1xf32>
    %sub3A = arith.subf %broadcast_in_dim3A, %add3A_37 : vector<256x1xf32>
    %swap3A = arith.constant 0 : index
    %swap3A_52 = arith.constant 0 : index
    %swap3A_53 = vector.load %arg12[%swap3A, %swap3A_52] : memref<256x1xf32, #tpu.memory_space<vmem>>, vector<256x1xf32>
    tpu.vector_store %arg12[%swap3A, %swap3A_52], %sub3A {strides = array<i32>} : memref<256x1xf32, #tpu.memory_space<vmem>>, vector<256x1xf32>,
    return
  }
  func.func @transform_0(%arg0: i32) -> (i32, i32) {
    %c0_i32 = arith.constant 0 : i32
    %c0_i32_0 = arith.constant 0 : i32
    return %arg0, %c0_i32 : i32, i32
  }
  func.func @transform_1(%arg0: i32) -> (i32, i32) {
    %c0_i32 = arith.constant 0 : i32
    %c0_i32_0 = arith.constant 0 : i32
    %c0_i32_1 = arith.constant 0 : i32
    return %c0_i32, %c0_i32_0 : i32, i32
  }
  func.func @transform_2(%arg0: i32) -> (i32, i32) {
    %c0_i32 = arith.constant 0 : i32
    %c0_i32_0 = arith.constant 0 : i32
    %c0_i32_1 = arith.constant 0 : i32
    return %c0_i32, %c0_i32_0 : i32, i32
  }
  func.func @transform_3(%arg0: i32) -> (i32, i32) {
    %c0_i32 = arith.constant 0 : i32
    %c0_i32_0 = arith.constant 0 : i32
    %c0_i32_1 = arith.constant 0 : i32
    return %c0_i32, %c0_i32_0 : i32, i32
  }
  func.func @transform_4(%arg0: i32) -> (i32, i32) {
    %c0_i32 = arith.constant 0 : i32
    %c0_i32_0 = arith.constant 0 : i32
    %c0_i32_1 = arith.constant 0 : i32
    return %c0_i32, %c0_i32_0 : i32, i32
  }
  func.func @transform_5(%arg0: i32) -> (i32, i32) {
    %c0_i32 = arith.constant 0 : i32
    %c0_i32_0 = arith.constant 0 : i32
    return %arg0, %c0_i32 : i32, i32
  }
  func.func @transform_6(%arg0: i32) -> (i32, i32) {
    %c0_i32 = arith.constant 0 : i32
    %c0_i32_0 = arith.constant 0 : i32
    return %arg0, %c0_i32 : i32, i32
  }
  func.func @transform_7(%arg0: i32) -> (i32, i32) {
    %c0_i32 = arith.constant 0 : i32
    %c0_i32_0 = arith.constant 0 : i32
    %c0_i32_1 = arith.constant 0 : i32
    return %c0_i32, %c0_i32_0 : i32, i32
  }
  func.func @transform_8(%arg0: i32) -> (i32, i32) {
    %c0_i32 = arith.constant 0 : i32
    %c0_i32_0 = arith.constant 0 : i32
    %c0_i32_1 = arith.constant 0 : i32
    return %c0_i32, %c0_i32_0 : i32, i32
  }
  func.func @transform_9(%arg0: i32) -> (i32, i32) {
    %c0_i32 = arith.constant 0 : i32
    %c0_i32_0 = arith.constant 0 : i32
    %c0_i32_1 = arith.constant 0 : i32
    return %c0_i32, %c0_i32_0 : i32, i32
  }
  func.func @transform_10(%arg0: i32) -> (i32, i32) {
    %c0_i32 = arith.constant 0 : i32
    %c0_i32_0 = arith.constant 0 : i32
    %c0_i32_1 = arith.constant 0 : i32
    return %c0_i32, %c0_i32_0 : i32, i32
  }
  func.func @transform_11(%arg0: i32) -> (i32, i32) {
    %c0_i32 = arith.constant 0 : i32
    %c0_i32_0 = arith.constant 0 : i32
    return %arg0, %c0_i32 : i32, i32
  }
}

module attributes {stable_mosaic.version = 14 : i64} {
  func.func @_expert_body(%arg0: i32, %arg1: memref<32xi32, #tpu.memory_space<smem>>, %arg2: memref<32xi32, #tpu.memory_space<smem>>, %arg3: memref<32xi32, #tpu.memory_space<smem>>, %arg4: memref<1xi32, #tpu.memory_space<smem>>, %arg5: memref<1024x1024xbf16, #tpu.memory_space<vmem>>, %arg6: memref<1024x2xi32, #tpu.memory_space<vmem>>, %arg7: memref<2x1024xi32, #tpu.memory_space<vmem>>, %arg8: memref<1024x2xf32, #tpu.memory_space<vmem>>, %arg9: memref<16x1024x2048xf32, #tpu.memory_space<any>>, %arg10: memref<1x1x2048xf32, #tpu.memory_space<vmem>>, %arg11: memref<16x2048x1024xf32, #tpu.memory_space<any>>, %arg12: memref<1x1x1024xf32, #tpu.memory_space<vmem>>, %arg13: memref<1024x1024xf32, #tpu.memory_space<vmem>>, %arg14: memref<3x1024x2048xf32, #tpu.memory_space<vmem>>, %arg15: memref<3x2048x1024xf32, #tpu.memory_space<vmem>>, %arg16: memref<3x2x!tpu.dma_semaphore, #tpu.memory_space<semaphore_mem>>) attributes {dimension_semantics = [#tpu.dimension_semantics<arbitrary>], iteration_bounds = array<i64: 32>, scalar_prefetch = 4 : i64, scratch_operands = 3 : i64, tpu.core_type = #tpu.core_type<tc>, window_params = [{pipeline_mode = #tpu.pipeline_mode<synchronous>, transform_indices = @transform_0, window_bounds = array<i64: 1024, 1024>}, {pipeline_mode = #tpu.pipeline_mode<synchronous>, transform_indices = @transform_1, window_bounds = array<i64: 1024, 2>}, {pipeline_mode = #tpu.pipeline_mode<synchronous>, transform_indices = @transform_2, window_bounds = array<i64: 2, 1024>}, {pipeline_mode = #tpu.pipeline_mode<synchronous>, transform_indices = @transform_3, window_bounds = array<i64: 1024, 2>}, {}, {transform_indices = @transform_5, window_bounds = array<i64: 1, 1, 2048>}, {}, {transform_indices = @transform_7, window_bounds = array<i64: 1, 1, 1024>}, {pipeline_mode = #tpu.pipeline_mode<synchronous>, transform_indices = @transform_8, window_bounds = array<i64: 1024, 1024>}]} {
    %get3A = arith.index_cast %arg0 : i32 to index
    %get3A_0 = memref.load %arg2[%get3A] : memref<32xi32, #tpu.memory_space<smem>>
    %get3A_1 = arith.constant 0 : index
    %get3A_2 = memref.load %arg4[%get3A_1] : memref<1xi32, #tpu.memory_space<smem>>
    %sub3A = arith.constant 1 : i32
    %sub3A_3 = arith.subi %arg0, %sub3A : i32
    %max3A = arith.constant 0 : i32
    %max3A_4 = arith.maxsi %sub3A_3, %max3A : i32
    %get3A_5 = arith.index_cast %max3A_4 : i32 to index
    %get3A_6 = memref.load %arg2[%get3A_5] : memref<32xi32, #tpu.memory_space<smem>>
    %eq3A = arith.constant 0 : i32
    %eq3A_7 = arith.cmpi eq, %arg0, %eq3A : i32
    %ne3A = arith.cmpi ne, %get3A_0, %get3A_6 : i32
    %or3A = arith.ori %eq3A_7, %ne3A : i1
    %eq3A_8 = arith.constant 0 : i32
    %eq3A_9 = arith.cmpi eq, %arg0, %eq3A_8 : i32
    %convert_element_type3A = arith.extui %eq3A_9 : i1 to i32
    %cond3A = arith.constant 0 : i32
    %cond3A_10 = arith.cmpi ne, %convert_element_type3A, %cond3A : i32
    scf.if %cond3A_10 {
      %gt3A_125 = arith.constant 0 : i32
      %gt3A_126 = arith.cmpi sgt, %get3A_2, %gt3A_125 : i32
      %convert_element_type3A_127 = arith.extui %gt3A_126 : i1 to i32
      %cond3A_128 = arith.constant 0 : i32
      %cond3A_129 = arith.cmpi ne, %convert_element_type3A_127, %cond3A_128 : i32
      scf.if %cond3A_129 {
        %rem3A_140 = arith.constant 0 : i32
        %rem3A_141 = arith.constant 3 : i32
        %rem3A_142 = arith.remsi %rem3A_140, %rem3A_141 : i32
        %get3A_143 = arith.constant 0 : index
        %get3A_144 = memref.load %arg3[%get3A_143] : memref<32xi32, #tpu.memory_space<smem>>
        %dma_start3A = arith.constant 0 : i32
        %dma_start3A_145 = tpu.memref_slice %arg16[%rem3A_142, %dma_start3A] : memref<3x2x!tpu.dma_semaphore, #tpu.memory_space<semaphore_mem>> -> memref<1x1x!tpu.dma_semaphore, #tpu.memory_space<semaphore_mem>>
        %dma_start3A_146 = tpu.memref_squeeze %dma_start3A_145 : memref<1x1x!tpu.dma_semaphore, #tpu.memory_space<semaphore_mem>> -> memref<!tpu.dma_semaphore, #tpu.memory_space<semaphore_mem>>
        %dma_start3A_147 = arith.constant 0 : i32
        %dma_start3A_148 = arith.constant 0 : i32
        %dma_start3A_149 = tpu.memref_slice %arg14[%rem3A_142, %dma_start3A_147, %dma_start3A_148] : memref<3x1024x2048xf32, #tpu.memory_space<vmem>> -> memref<1x1024x2048xf32, #tpu.memory_space<vmem>>
        %dma_start3A_150 = tpu.memref_squeeze %dma_start3A_149 : memref<1x1024x2048xf32, #tpu.memory_space<vmem>> -> memref<1024x2048xf32, #tpu.memory_space<vmem>>
        %dma_start3A_151 = arith.constant 0 : i32
        %dma_start3A_152 = arith.constant 0 : i32
        %dma_start3A_153 = tpu.memref_slice %arg9[%get3A_144, %dma_start3A_151, %dma_start3A_152] : memref<16x1024x2048xf32, #tpu.memory_space<any>> -> memref<1x1024x2048xf32, #tpu.memory_space<any>>
        %dma_start3A_154 = tpu.memref_squeeze %dma_start3A_153 : memref<1x1024x2048xf32, #tpu.memory_space<any>> -> memref<1024x2048xf32, #tpu.memory_space<any>>
        tpu.enqueue_dma source(%dma_start3A_154 : memref<1024x2048xf32, #tpu.memory_space<any>>) target(%dma_start3A_150 : memref<1024x2048xf32, #tpu.memory_space<vmem>>) target_semaphore(%dma_start3A_146 : memref<!tpu.dma_semaphore, #tpu.memory_space<semaphore_mem>>)
        %dma_start3A_155 = arith.constant 1 : i32
        %dma_start3A_156 = tpu.memref_slice %arg16[%rem3A_142, %dma_start3A_155] : memref<3x2x!tpu.dma_semaphore, #tpu.memory_space<semaphore_mem>> -> memref<1x1x!tpu.dma_semaphore, #tpu.memory_space<semaphore_mem>>
        %dma_start3A_157 = tpu.memref_squeeze %dma_start3A_156 : memref<1x1x!tpu.dma_semaphore, #tpu.memory_space<semaphore_mem>> -> memref<!tpu.dma_semaphore, #tpu.memory_space<semaphore_mem>>
        %dma_start3A_158 = arith.constant 0 : i32
        %dma_start3A_159 = arith.constant 0 : i32
        %dma_start3A_160 = tpu.memref_slice %arg15[%rem3A_142, %dma_start3A_158, %dma_start3A_159] : memref<3x2048x1024xf32, #tpu.memory_space<vmem>> -> memref<1x2048x1024xf32, #tpu.memory_space<vmem>>
        %dma_start3A_161 = tpu.memref_squeeze %dma_start3A_160 : memref<1x2048x1024xf32, #tpu.memory_space<vmem>> -> memref<2048x1024xf32, #tpu.memory_space<vmem>>
        %dma_start3A_162 = arith.constant 0 : i32
        %dma_start3A_163 = arith.constant 0 : i32
        %dma_start3A_164 = tpu.memref_slice %arg11[%get3A_144, %dma_start3A_162, %dma_start3A_163] : memref<16x2048x1024xf32, #tpu.memory_space<any>> -> memref<1x2048x1024xf32, #tpu.memory_space<any>>
        %dma_start3A_165 = tpu.memref_squeeze %dma_start3A_164 : memref<1x2048x1024xf32, #tpu.memory_space<any>> -> memref<2048x1024xf32, #tpu.memory_space<any>>
        tpu.enqueue_dma source(%dma_start3A_165 : memref<2048x1024xf32, #tpu.memory_space<any>>) target(%dma_start3A_161 : memref<2048x1024xf32, #tpu.memory_space<vmem>>) target_semaphore(%dma_start3A_157 : memref<!tpu.dma_semaphore, #tpu.memory_space<semaphore_mem>>)
      } else {
      }
      %gt3A_130 = arith.constant 1 : i32
      %gt3A_131 = arith.cmpi sgt, %get3A_2, %gt3A_130 : i32
      %convert_element_type3A_132 = arith.extui %gt3A_131 : i1 to i32
      %cond3A_133 = arith.constant 0 : i32
      %cond3A_134 = arith.cmpi ne, %convert_element_type3A_132, %cond3A_133 : i32
      scf.if %cond3A_134 {
        %rem3A_140 = arith.constant 1 : i32
        %rem3A_141 = arith.constant 3 : i32
        %rem3A_142 = arith.remsi %rem3A_140, %rem3A_141 : i32
        %get3A_143 = arith.constant 1 : index
        %get3A_144 = memref.load %arg3[%get3A_143] : memref<32xi32, #tpu.memory_space<smem>>
        %dma_start3A = arith.constant 0 : i32
        %dma_start3A_145 = tpu.memref_slice %arg16[%rem3A_142, %dma_start3A] : memref<3x2x!tpu.dma_semaphore, #tpu.memory_space<semaphore_mem>> -> memref<1x1x!tpu.dma_semaphore, #tpu.memory_space<semaphore_mem>>
        %dma_start3A_146 = tpu.memref_squeeze %dma_start3A_145 : memref<1x1x!tpu.dma_semaphore, #tpu.memory_space<semaphore_mem>> -> memref<!tpu.dma_semaphore, #tpu.memory_space<semaphore_mem>>
        %dma_start3A_147 = arith.constant 0 : i32
        %dma_start3A_148 = arith.constant 0 : i32
        %dma_start3A_149 = tpu.memref_slice %arg14[%rem3A_142, %dma_start3A_147, %dma_start3A_148] : memref<3x1024x2048xf32, #tpu.memory_space<vmem>> -> memref<1x1024x2048xf32, #tpu.memory_space<vmem>>
        %dma_start3A_150 = tpu.memref_squeeze %dma_start3A_149 : memref<1x1024x2048xf32, #tpu.memory_space<vmem>> -> memref<1024x2048xf32, #tpu.memory_space<vmem>>
        %dma_start3A_151 = arith.constant 0 : i32
        %dma_start3A_152 = arith.constant 0 : i32
        %dma_start3A_153 = tpu.memref_slice %arg9[%get3A_144, %dma_start3A_151, %dma_start3A_152] : memref<16x1024x2048xf32, #tpu.memory_space<any>> -> memref<1x1024x2048xf32, #tpu.memory_space<any>>
        %dma_start3A_154 = tpu.memref_squeeze %dma_start3A_153 : memref<1x1024x2048xf32, #tpu.memory_space<any>> -> memref<1024x2048xf32, #tpu.memory_space<any>>
        tpu.enqueue_dma source(%dma_start3A_154 : memref<1024x2048xf32, #tpu.memory_space<any>>) target(%dma_start3A_150 : memref<1024x2048xf32, #tpu.memory_space<vmem>>) target_semaphore(%dma_start3A_146 : memref<!tpu.dma_semaphore, #tpu.memory_space<semaphore_mem>>)
        %dma_start3A_155 = arith.constant 1 : i32
        %dma_start3A_156 = tpu.memref_slice %arg16[%rem3A_142, %dma_start3A_155] : memref<3x2x!tpu.dma_semaphore, #tpu.memory_space<semaphore_mem>> -> memref<1x1x!tpu.dma_semaphore, #tpu.memory_space<semaphore_mem>>
        %dma_start3A_157 = tpu.memref_squeeze %dma_start3A_156 : memref<1x1x!tpu.dma_semaphore, #tpu.memory_space<semaphore_mem>> -> memref<!tpu.dma_semaphore, #tpu.memory_space<semaphore_mem>>
        %dma_start3A_158 = arith.constant 0 : i32
        %dma_start3A_159 = arith.constant 0 : i32
        %dma_start3A_160 = tpu.memref_slice %arg15[%rem3A_142, %dma_start3A_158, %dma_start3A_159] : memref<3x2048x1024xf32, #tpu.memory_space<vmem>> -> memref<1x2048x1024xf32, #tpu.memory_space<vmem>>
        %dma_start3A_161 = tpu.memref_squeeze %dma_start3A_160 : memref<1x2048x1024xf32, #tpu.memory_space<vmem>> -> memref<2048x1024xf32, #tpu.memory_space<vmem>>
        %dma_start3A_162 = arith.constant 0 : i32
        %dma_start3A_163 = arith.constant 0 : i32
        %dma_start3A_164 = tpu.memref_slice %arg11[%get3A_144, %dma_start3A_162, %dma_start3A_163] : memref<16x2048x1024xf32, #tpu.memory_space<any>> -> memref<1x2048x1024xf32, #tpu.memory_space<any>>
        %dma_start3A_165 = tpu.memref_squeeze %dma_start3A_164 : memref<1x2048x1024xf32, #tpu.memory_space<any>> -> memref<2048x1024xf32, #tpu.memory_space<any>>
        tpu.enqueue_dma source(%dma_start3A_165 : memref<2048x1024xf32, #tpu.memory_space<any>>) target(%dma_start3A_161 : memref<2048x1024xf32, #tpu.memory_space<vmem>>) target_semaphore(%dma_start3A_157 : memref<!tpu.dma_semaphore, #tpu.memory_space<semaphore_mem>>)
      } else {
      }
      %gt3A_135 = arith.constant 2 : i32
      %gt3A_136 = arith.cmpi sgt, %get3A_2, %gt3A_135 : i32
      %convert_element_type3A_137 = arith.extui %gt3A_136 : i1 to i32
      %cond3A_138 = arith.constant 0 : i32
      %cond3A_139 = arith.cmpi ne, %convert_element_type3A_137, %cond3A_138 : i32
      scf.if %cond3A_139 {
        %rem3A_140 = arith.constant 2 : i32
        %rem3A_141 = arith.constant 3 : i32
        %rem3A_142 = arith.remsi %rem3A_140, %rem3A_141 : i32
        %get3A_143 = arith.constant 2 : index
        %get3A_144 = memref.load %arg3[%get3A_143] : memref<32xi32, #tpu.memory_space<smem>>
        %dma_start3A = arith.constant 0 : i32
        %dma_start3A_145 = tpu.memref_slice %arg16[%rem3A_142, %dma_start3A] : memref<3x2x!tpu.dma_semaphore, #tpu.memory_space<semaphore_mem>> -> memref<1x1x!tpu.dma_semaphore, #tpu.memory_space<semaphore_mem>>
        %dma_start3A_146 = tpu.memref_squeeze %dma_start3A_145 : memref<1x1x!tpu.dma_semaphore, #tpu.memory_space<semaphore_mem>> -> memref<!tpu.dma_semaphore, #tpu.memory_space<semaphore_mem>>
        %dma_start3A_147 = arith.constant 0 : i32
        %dma_start3A_148 = arith.constant 0 : i32
        %dma_start3A_149 = tpu.memref_slice %arg14[%rem3A_142, %dma_start3A_147, %dma_start3A_148] : memref<3x1024x2048xf32, #tpu.memory_space<vmem>> -> memref<1x1024x2048xf32, #tpu.memory_space<vmem>>
        %dma_start3A_150 = tpu.memref_squeeze %dma_start3A_149 : memref<1x1024x2048xf32, #tpu.memory_space<vmem>> -> memref<1024x2048xf32, #tpu.memory_space<vmem>>
        %dma_start3A_151 = arith.constant 0 : i32
        %dma_start3A_152 = arith.constant 0 : i32
        %dma_start3A_153 = tpu.memref_slice %arg9[%get3A_144, %dma_start3A_151, %dma_start3A_152] : memref<16x1024x2048xf32, #tpu.memory_space<any>> -> memref<1x1024x2048xf32, #tpu.memory_space<any>>
        %dma_start3A_154 = tpu.memref_squeeze %dma_start3A_153 : memref<1x1024x2048xf32, #tpu.memory_space<any>> -> memref<1024x2048xf32, #tpu.memory_space<any>>
        tpu.enqueue_dma source(%dma_start3A_154 : memref<1024x2048xf32, #tpu.memory_space<any>>) target(%dma_start3A_150 : memref<1024x2048xf32, #tpu.memory_space<vmem>>) target_semaphore(%dma_start3A_146 : memref<!tpu.dma_semaphore, #tpu.memory_space<semaphore_mem>>)
        %dma_start3A_155 = arith.constant 1 : i32
        %dma_start3A_156 = tpu.memref_slice %arg16[%rem3A_142, %dma_start3A_155] : memref<3x2x!tpu.dma_semaphore, #tpu.memory_space<semaphore_mem>> -> memref<1x1x!tpu.dma_semaphore, #tpu.memory_space<semaphore_mem>>
        %dma_start3A_157 = tpu.memref_squeeze %dma_start3A_156 : memref<1x1x!tpu.dma_semaphore, #tpu.memory_space<semaphore_mem>> -> memref<!tpu.dma_semaphore, #tpu.memory_space<semaphore_mem>>
        %dma_start3A_158 = arith.constant 0 : i32
        %dma_start3A_159 = arith.constant 0 : i32
        %dma_start3A_160 = tpu.memref_slice %arg15[%rem3A_142, %dma_start3A_158, %dma_start3A_159] : memref<3x2048x1024xf32, #tpu.memory_space<vmem>> -> memref<1x2048x1024xf32, #tpu.memory_space<vmem>>
        %dma_start3A_161 = tpu.memref_squeeze %dma_start3A_160 : memref<1x2048x1024xf32, #tpu.memory_space<vmem>> -> memref<2048x1024xf32, #tpu.memory_space<vmem>>
        %dma_start3A_162 = arith.constant 0 : i32
        %dma_start3A_163 = arith.constant 0 : i32
        %dma_start3A_164 = tpu.memref_slice %arg11[%get3A_144, %dma_start3A_162, %dma_start3A_163] : memref<16x2048x1024xf32, #tpu.memory_space<any>> -> memref<1x2048x1024xf32, #tpu.memory_space<any>>
        %dma_start3A_165 = tpu.memref_squeeze %dma_start3A_164 : memref<1x2048x1024xf32, #tpu.memory_space<any>> -> memref<2048x1024xf32, #tpu.memory_space<any>>
        tpu.enqueue_dma source(%dma_start3A_165 : memref<2048x1024xf32, #tpu.memory_space<any>>) target(%dma_start3A_161 : memref<2048x1024xf32, #tpu.memory_space<vmem>>) target_semaphore(%dma_start3A_157 : memref<!tpu.dma_semaphore, #tpu.memory_space<semaphore_mem>>)
      } else {
      }
    } else {
    }
    %gt3A = arith.constant 0 : i32
    %gt3A_11 = arith.cmpi sgt, %arg0, %gt3A : i32
    %add3A = arith.constant 2 : i32
    %add3A_12 = arith.addi %get3A_0, %add3A : i32
    %lt3A = arith.cmpi slt, %add3A_12, %get3A_2 : i32
    %and3A = arith.andi %or3A, %lt3A : i1
    %and3A_13 = arith.andi %gt3A_11, %and3A : i1
    %convert_element_type3A_14 = arith.extui %and3A_13 : i1 to i32
    %cond3A_15 = arith.constant 0 : i32
    %cond3A_16 = arith.cmpi ne, %convert_element_type3A_14, %cond3A_15 : i32
    scf.if %cond3A_16 {
      %add3A_125 = arith.constant 2 : i32
      %add3A_126 = arith.addi %get3A_0, %add3A_125 : i32
      %rem3A_127 = arith.constant 3 : i32
      %rem3A_128 = arith.remsi %add3A_126, %rem3A_127 : i32
      %get3A_129 = arith.index_cast %add3A_126 : i32 to index
      %get3A_130 = memref.load %arg3[%get3A_129] : memref<32xi32, #tpu.memory_space<smem>>
      %dma_start3A = arith.constant 0 : i32
      %dma_start3A_131 = tpu.memref_slice %arg16[%rem3A_128, %dma_start3A] : memref<3x2x!tpu.dma_semaphore, #tpu.memory_space<semaphore_mem>> -> memref<1x1x!tpu.dma_semaphore, #tpu.memory_space<semaphore_mem>>
      %dma_start3A_132 = tpu.memref_squeeze %dma_start3A_131 : memref<1x1x!tpu.dma_semaphore, #tpu.memory_space<semaphore_mem>> -> memref<!tpu.dma_semaphore, #tpu.memory_space<semaphore_mem>>
      %dma_start3A_133 = arith.constant 0 : i32
      %dma_start3A_134 = arith.constant 0 : i32
      %dma_start3A_135 = tpu.memref_slice %arg14[%rem3A_128, %dma_start3A_133, %dma_start3A_134] : memref<3x1024x2048xf32, #tpu.memory_space<vmem>> -> memref<1x1024x2048xf32, #tpu.memory_space<vmem>>
      %dma_start3A_136 = tpu.memref_squeeze %dma_start3A_135 : memref<1x1024x2048xf32, #tpu.memory_space<vmem>> -> memref<1024x2048xf32, #tpu.memory_space<vmem>>
      %dma_start3A_137 = arith.constant 0 : i32
      %dma_start3A_138 = arith.constant 0 : i32
      %dma_start3A_139 = tpu.memref_slice %arg9[%get3A_130, %dma_start3A_137, %dma_start3A_138] : memref<16x1024x2048xf32, #tpu.memory_space<any>> -> memref<1x1024x2048xf32, #tpu.memory_space<any>>
      %dma_start3A_140 = tpu.memref_squeeze %dma_start3A_139 : memref<1x1024x2048xf32, #tpu.memory_space<any>> -> memref<1024x2048xf32, #tpu.memory_space<any>>
      tpu.enqueue_dma source(%dma_start3A_140 : memref<1024x2048xf32, #tpu.memory_space<any>>) target(%dma_start3A_136 : memref<1024x2048xf32, #tpu.memory_space<vmem>>) target_semaphore(%dma_start3A_132 : memref<!tpu.dma_semaphore, #tpu.memory_space<semaphore_mem>>)
      %dma_start3A_141 = arith.constant 1 : i32
      %dma_start3A_142 = tpu.memref_slice %arg16[%rem3A_128, %dma_start3A_141] : memref<3x2x!tpu.dma_semaphore, #tpu.memory_space<semaphore_mem>> -> memref<1x1x!tpu.dma_semaphore, #tpu.memory_space<semaphore_mem>>
      %dma_start3A_143 = tpu.memref_squeeze %dma_start3A_142 : memref<1x1x!tpu.dma_semaphore, #tpu.memory_space<semaphore_mem>> -> memref<!tpu.dma_semaphore, #tpu.memory_space<semaphore_mem>>
      %dma_start3A_144 = arith.constant 0 : i32
      %dma_start3A_145 = arith.constant 0 : i32
      %dma_start3A_146 = tpu.memref_slice %arg15[%rem3A_128, %dma_start3A_144, %dma_start3A_145] : memref<3x2048x1024xf32, #tpu.memory_space<vmem>> -> memref<1x2048x1024xf32, #tpu.memory_space<vmem>>
      %dma_start3A_147 = tpu.memref_squeeze %dma_start3A_146 : memref<1x2048x1024xf32, #tpu.memory_space<vmem>> -> memref<2048x1024xf32, #tpu.memory_space<vmem>>
      %dma_start3A_148 = arith.constant 0 : i32
      %dma_start3A_149 = arith.constant 0 : i32
      %dma_start3A_150 = tpu.memref_slice %arg11[%get3A_130, %dma_start3A_148, %dma_start3A_149] : memref<16x2048x1024xf32, #tpu.memory_space<any>> -> memref<1x2048x1024xf32, #tpu.memory_space<any>>
      %dma_start3A_151 = tpu.memref_squeeze %dma_start3A_150 : memref<1x2048x1024xf32, #tpu.memory_space<any>> -> memref<2048x1024xf32, #tpu.memory_space<any>>
      tpu.enqueue_dma source(%dma_start3A_151 : memref<2048x1024xf32, #tpu.memory_space<any>>) target(%dma_start3A_147 : memref<2048x1024xf32, #tpu.memory_space<vmem>>) target_semaphore(%dma_start3A_143 : memref<!tpu.dma_semaphore, #tpu.memory_space<semaphore_mem>>)
    } else {
    }
    %rem3A = arith.constant 3 : i32
    %rem3A_17 = arith.remsi %get3A_0, %rem3A : i32
    %convert_element_type3A_18 = arith.extui %or3A : i1 to i32
    %cond3A_19 = arith.constant 0 : i32
    %cond3A_20 = arith.cmpi ne, %convert_element_type3A_18, %cond3A_19 : i32
    scf.if %cond3A_20 {
      %get3A_125 = arith.index_cast %get3A_0 : i32 to index
      %get3A_126 = memref.load %arg3[%get3A_125] : memref<32xi32, #tpu.memory_space<smem>>
      %dma_wait3A = arith.constant 0 : i32
      %dma_wait3A_127 = tpu.memref_slice %arg16[%rem3A_17, %dma_wait3A] : memref<3x2x!tpu.dma_semaphore, #tpu.memory_space<semaphore_mem>> -> memref<1x1x!tpu.dma_semaphore, #tpu.memory_space<semaphore_mem>>
      %dma_wait3A_128 = tpu.memref_squeeze %dma_wait3A_127 : memref<1x1x!tpu.dma_semaphore, #tpu.memory_space<semaphore_mem>> -> memref<!tpu.dma_semaphore, #tpu.memory_space<semaphore_mem>>
      %dma_wait3A_129 = arith.constant 0 : i32
      %dma_wait3A_130 = arith.constant 0 : i32
      %dma_wait3A_131 = tpu.memref_slice %arg14[%rem3A_17, %dma_wait3A_129, %dma_wait3A_130] : memref<3x1024x2048xf32, #tpu.memory_space<vmem>> -> memref<1x1024x2048xf32, #tpu.memory_space<vmem>>
      %dma_wait3A_132 = tpu.memref_squeeze %dma_wait3A_131 : memref<1x1024x2048xf32, #tpu.memory_space<vmem>> -> memref<1024x2048xf32, #tpu.memory_space<vmem>>
      %dma_wait3A_133 = arith.constant 0 : i32
      %dma_wait3A_134 = arith.constant 0 : i32
      %dma_wait3A_135 = tpu.memref_slice %arg9[%get3A_126, %dma_wait3A_133, %dma_wait3A_134] : memref<16x1024x2048xf32, #tpu.memory_space<any>> -> memref<1x1024x2048xf32, #tpu.memory_space<any>>
      %dma_wait3A_136 = tpu.memref_squeeze %dma_wait3A_135 : memref<1x1024x2048xf32, #tpu.memory_space<any>> -> memref<1024x2048xf32, #tpu.memory_space<any>>
      tpu.wait_dma2 semaphore(%dma_wait3A_128 : memref<!tpu.dma_semaphore, #tpu.memory_space<semaphore_mem>>) src(%dma_wait3A_136 : memref<1024x2048xf32, #tpu.memory_space<any>>) dst(%dma_wait3A_132 : memref<1024x2048xf32, #tpu.memory_space<vmem>>)
      %dma_wait3A_137 = arith.constant 1 : i32
      %dma_wait3A_138 = tpu.memref_slice %arg16[%rem3A_17, %dma_wait3A_137] : memref<3x2x!tpu.dma_semaphore, #tpu.memory_space<semaphore_mem>> -> memref<1x1x!tpu.dma_semaphore, #tpu.memory_space<semaphore_mem>>
      %dma_wait3A_139 = tpu.memref_squeeze %dma_wait3A_138 : memref<1x1x!tpu.dma_semaphore, #tpu.memory_space<semaphore_mem>> -> memref<!tpu.dma_semaphore, #tpu.memory_space<semaphore_mem>>
      %dma_wait3A_140 = arith.constant 0 : i32
      %dma_wait3A_141 = arith.constant 0 : i32
      %dma_wait3A_142 = tpu.memref_slice %arg15[%rem3A_17, %dma_wait3A_140, %dma_wait3A_141] : memref<3x2048x1024xf32, #tpu.memory_space<vmem>> -> memref<1x2048x1024xf32, #tpu.memory_space<vmem>>
      %dma_wait3A_143 = tpu.memref_squeeze %dma_wait3A_142 : memref<1x2048x1024xf32, #tpu.memory_space<vmem>> -> memref<2048x1024xf32, #tpu.memory_space<vmem>>
      %dma_wait3A_144 = arith.constant 0 : i32
      %dma_wait3A_145 = arith.constant 0 : i32
      %dma_wait3A_146 = tpu.memref_slice %arg11[%get3A_126, %dma_wait3A_144, %dma_wait3A_145] : memref<16x2048x1024xf32, #tpu.memory_space<any>> -> memref<1x2048x1024xf32, #tpu.memory_space<any>>
      %dma_wait3A_147 = tpu.memref_squeeze %dma_wait3A_146 : memref<1x2048x1024xf32, #tpu.memory_space<any>> -> memref<2048x1024xf32, #tpu.memory_space<any>>
      tpu.wait_dma2 semaphore(%dma_wait3A_139 : memref<!tpu.dma_semaphore, #tpu.memory_space<semaphore_mem>>) src(%dma_wait3A_147 : memref<2048x1024xf32, #tpu.memory_space<any>>) dst(%dma_wait3A_143 : memref<2048x1024xf32, #tpu.memory_space<vmem>>)
    } else {
    }
    %mul3A = arith.constant 128 : i32
    %mul3A_21 = arith.muli %arg0, %mul3A : i32
    %iota3A = tpu.iota {dimensions = array<i32: 0>} : vector<128x1xi32>
    %add3A_22 = vector.broadcast %mul3A_21 : i32 to vector<128x1xi32>
    %add3A_23 = arith.addi %add3A_22, %iota3A : vector<128x1xi32>
    %mul3A_24 = arith.constant 128 : i32
    %mul3A_25 = arith.muli %arg0, %mul3A_24 : i32
    %iota3A_26 = tpu.iota {dimensions = array<i32: 1>} : vector<1x128xi32>
    %add3A_27 = vector.broadcast %mul3A_25 : i32 to vector<1x128xi32>
    %add3A_28 = arith.addi %add3A_27, %iota3A_26 : vector<1x128xi32>
    %get3A_29 = arith.constant 0 : index
    %get3A_30 = arith.constant 0 : index
    %get3A_31 = vector.load %arg7[%get3A_29, %get3A_30] : memref<2x1024xi32, #tpu.memory_space<vmem>>, vector<1x1024xi32>
    %eq3A_32 = vector.broadcast %get3A_31 : vector<1x1024xi32> to vector<128x1024xi32>
    %eq3A_33 = vector.broadcast %add3A_23 : vector<128x1xi32> to vector<128x1024xi32>
    %eq3A_34 = arith.cmpi eq, %eq3A_32, %eq3A_33 : vector<128x1024xi32>
    %get3A_35 = arith.constant 1 : index
    %get3A_36 = arith.constant 0 : index
    %get3A_37 = vector.load %arg7[%get3A_35, %get3A_36] : memref<2x1024xi32, #tpu.memory_space<vmem>>, vector<1x1024xi32>
    %eq3A_38 = vector.broadcast %get3A_37 : vector<1x1024xi32> to vector<128x1024xi32>
    %eq3A_39 = vector.broadcast %add3A_23 : vector<128x1xi32> to vector<128x1024xi32>
    %eq3A_40 = arith.cmpi eq, %eq3A_38, %eq3A_39 : vector<128x1024xi32>
    %or3A_41 = arith.ori %eq3A_34, %eq3A_40 : vector<128x1024xi1>
    %convert_element_type3A_42 = arith.extui %or3A_41 : vector<128x1024xi1> to vector<128x1024xi32>
    %convert_element_type3A_43 = arith.sitofp %convert_element_type3A_42 : vector<128x1024xi32> to vector<128x1024xf32>
    %convert_element_type3A_44 = arith.truncf %convert_element_type3A_43 : vector<128x1024xf32> to vector<128x1024xbf16>
    %get3A_45 = arith.constant 0 : index
    %get3A_46 = arith.constant 0 : index
    %get3A_47 = vector.load %arg5[%get3A_45, %get3A_46] : memref<1024x1024xbf16, #tpu.memory_space<vmem>>, vector<1024x1024xbf16>
    %dot_general3A = arith.constant dense<0.000000e+00> : vector<128x1024xf32>
    %dot_general3A_48 = tpu.matmul %convert_element_type3A_44, %get3A_47, %dot_general3A {dimension_numbers = #tpu.dot_dimension_numbers<[1], [0], [0], [1], [0, 0, 1, 1], [], []>, transpose_lhs_hint = false} : vector<128x1024xbf16>, vector<1024x1024xbf16>, vector<128x1024xf32> -> vector<128x1024xf32>
    %convert_element_type3A_49 = arith.truncf %dot_general3A_48 : vector<128x1024xf32> to vector<128x1024xbf16>
    %get3A_50 = arith.index_cast %rem3A_17 : i32 to index
    %get3A_51 = arith.constant 0 : index
    %get3A_52 = arith.constant 0 : index
    %get3A_53 = vector.load %arg14[%get3A_50, %get3A_51, %get3A_52] : memref<3x1024x2048xf32, #tpu.memory_space<vmem>>, vector<1x1024x2048xf32>
    %get3A_54 = vector.shape_cast %get3A_53 : vector<1x1024x2048xf32> to vector<1024x2048xf32>
    %convert_element_type3A_55 = arith.truncf %get3A_54 : vector<1024x2048xf32> to vector<1024x2048xbf16>
    %dot_general3A_56 = arith.constant dense<0.000000e+00> : vector<128x2048xf32>
    %dot_general3A_57 = tpu.matmul %convert_element_type3A_49, %convert_element_type3A_55, %dot_general3A_56 {dimension_numbers = #tpu.dot_dimension_numbers<[1], [0], [0], [1], [0, 0, 1, 1], [], []>, transpose_lhs_hint = false} : vector<128x1024xbf16>, vector<1024x2048xbf16>, vector<128x2048xf32> -> vector<128x2048xf32>
    %get3A_58 = arith.constant 0 : index
    %get3A_59 = arith.constant 0 : index
    %get3A_60 = arith.constant 0 : index
    %get3A_61 = vector.load %arg10[%get3A_58, %get3A_59, %get3A_60] : memref<1x1x2048xf32, #tpu.memory_space<vmem>>, vector<1x1x2048xf32>
    %get3A_62 = vector.shape_cast %get3A_61 : vector<1x1x2048xf32> to vector<1x2048xf32>
    %add3A_63 = vector.broadcast %get3A_62 : vector<1x2048xf32> to vector<128x2048xf32>
    %add3A_64 = arith.addf %dot_general3A_57, %add3A_63 : vector<128x2048xf32>
    %max3A_65 = arith.constant 0.000000e+00 : f32
    %max3A_66 = vector.broadcast %max3A_65 : f32 to vector<128x2048xf32>
    %max3A_67 = arith.maximumf %add3A_64, %max3A_66 : vector<128x2048xf32>
    %convert_element_type3A_68 = arith.truncf %max3A_67 : vector<128x2048xf32> to vector<128x2048xbf16>
    %get3A_69 = arith.index_cast %rem3A_17 : i32 to index
    %get3A_70 = arith.constant 0 : index
    %get3A_71 = arith.constant 0 : index
    %get3A_72 = vector.load %arg15[%get3A_69, %get3A_70, %get3A_71] : memref<3x2048x1024xf32, #tpu.memory_space<vmem>>, vector<1x2048x1024xf32>
    %get3A_73 = vector.shape_cast %get3A_72 : vector<1x2048x1024xf32> to vector<2048x1024xf32>
    %convert_element_type3A_74 = arith.truncf %get3A_73 : vector<2048x1024xf32> to vector<2048x1024xbf16>
    %dot_general3A_75 = arith.constant dense<0.000000e+00> : vector<128x1024xf32>
    %dot_general3A_76 = tpu.matmul %convert_element_type3A_68, %convert_element_type3A_74, %dot_general3A_75 {dimension_numbers = #tpu.dot_dimension_numbers<[1], [0], [0], [1], [0, 0, 1, 1], [], []>, transpose_lhs_hint = false} : vector<128x2048xbf16>, vector<2048x1024xbf16>, vector<128x1024xf32> -> vector<128x1024xf32>
    %get3A_77 = arith.constant 0 : index
    %get3A_78 = arith.constant 0 : index
    %get3A_79 = arith.constant 0 : index
    %get3A_80 = vector.load %arg12[%get3A_77, %get3A_78, %get3A_79] : memref<1x1x1024xf32, #tpu.memory_space<vmem>>, vector<1x1x1024xf32>
    %get3A_81 = vector.shape_cast %get3A_80 : vector<1x1x1024xf32> to vector<1x1024xf32>
    %add3A_82 = vector.broadcast %get3A_81 : vector<1x1024xf32> to vector<128x1024xf32>
    %add3A_83 = arith.addf %dot_general3A_76, %add3A_82 : vector<128x1024xf32>
    %get3A_84 = arith.constant 0 : index
    %get3A_85 = arith.constant 0 : index
    %get3A_86 = vector.load %arg6[%get3A_84, %get3A_85] : memref<1024x2xi32, #tpu.memory_space<vmem>>, vector<1024x1xi32>
    %eq3A_87 = vector.broadcast %get3A_86 : vector<1024x1xi32> to vector<1024x128xi32>
    %eq3A_88 = vector.broadcast %add3A_28 : vector<1x128xi32> to vector<1024x128xi32>
    %eq3A_89 = arith.cmpi eq, %eq3A_87, %eq3A_88 : vector<1024x128xi32>
    %convert_element_type3A_90 = arith.extui %eq3A_89 : vector<1024x128xi1> to vector<1024x128xi32>
    %convert_element_type3A_91 = arith.sitofp %convert_element_type3A_90 : vector<1024x128xi32> to vector<1024x128xf32>
    %get3A_92 = arith.constant 0 : index
    %get3A_93 = arith.constant 0 : index
    %get3A_94 = vector.load %arg8[%get3A_92, %get3A_93] : memref<1024x2xf32, #tpu.memory_space<vmem>>, vector<1024x1xf32>
    %mul3A_95 = vector.broadcast %get3A_94 : vector<1024x1xf32> to vector<1024x128xf32>
    %mul3A_96 = arith.mulf %convert_element_type3A_91, %mul3A_95 : vector<1024x128xf32>
    %get3A_97 = arith.constant 0 : index
    %get3A_98 = arith.constant 1 : index
    %get3A_99 = vector.load %arg6[%get3A_97, %get3A_98] : memref<1024x2xi32, #tpu.memory_space<vmem>>, vector<1024x1xi32>
    %eq3A_100 = vector.broadcast %get3A_99 : vector<1024x1xi32> to vector<1024x128xi32>
    %eq3A_101 = vector.broadcast %add3A_28 : vector<1x128xi32> to vector<1024x128xi32>
    %eq3A_102 = arith.cmpi eq, %eq3A_100, %eq3A_101 : vector<1024x128xi32>
    %convert_element_type3A_103 = arith.extui %eq3A_102 : vector<1024x128xi1> to vector<1024x128xi32>
    %convert_element_type3A_104 = arith.sitofp %convert_element_type3A_103 : vector<1024x128xi32> to vector<1024x128xf32>
    %get3A_105 = arith.constant 0 : index
    %get3A_106 = arith.constant 1 : index
    %get3A_107 = vector.load %arg8[%get3A_105, %get3A_106] : memref<1024x2xf32, #tpu.memory_space<vmem>>, vector<1024x1xf32>
    %mul3A_108 = vector.broadcast %get3A_107 : vector<1024x1xf32> to vector<1024x128xf32>
    %mul3A_109 = arith.mulf %convert_element_type3A_104, %mul3A_108 : vector<1024x128xf32>
    %add3A_110 = arith.addf %mul3A_96, %mul3A_109 : vector<1024x128xf32>
    %convert_element_type3A_111 = arith.truncf %add3A_110 : vector<1024x128xf32> to vector<1024x128xbf16>
    %convert_element_type3A_112 = arith.truncf %add3A_83 : vector<128x1024xf32> to vector<128x1024xbf16>
    %dot_general3A_113 = arith.constant dense<0.000000e+00> : vector<1024x1024xf32>
    %dot_general3A_114 = tpu.matmul %convert_element_type3A_111, %convert_element_type3A_112, %dot_general3A_113 {dimension_numbers = #tpu.dot_dimension_numbers<[1], [0], [0], [1], [0, 0, 1, 1], [], []>, transpose_lhs_hint = false} : vector<1024x128xbf16>, vector<128x1024xbf16>, vector<1024x1024xf32> -> vector<1024x1024xf32>
    %eq3A_115 = arith.constant 0 : i32
    %eq3A_116 = arith.cmpi eq, %arg0, %eq3A_115 : i32
    %convert_element_type3A_117 = arith.extui %eq3A_116 : i1 to i32
    %cond3A_118 = arith.constant 0 : i32
    %cond3A_119 = arith.cmpi ne, %convert_element_type3A_117, %cond3A_118 : i32
    scf.if %cond3A_119 {
      %swap3A = arith.constant 0 : index
      %swap3A_125 = arith.constant 0 : index
      %swap3A_126 = vector.load %arg13[%swap3A, %swap3A_125] : memref<1024x1024xf32, #tpu.memory_space<vmem>>, vector<1024x1024xf32>
      tpu.vector_store %arg13[%swap3A, %swap3A_125], %dot_general3A_114 {strides = array<i32>} : memref<1024x1024xf32, #tpu.memory_space<vmem>>, vector<1024x1024xf32>,
    } else {
    }
    %gt3A_120 = arith.constant 0 : i32
    %gt3A_121 = arith.cmpi sgt, %arg0, %gt3A_120 : i32
    %convert_element_type3A_122 = arith.extui %gt3A_121 : i1 to i32
    %cond3A_123 = arith.constant 0 : i32
    %cond3A_124 = arith.cmpi ne, %convert_element_type3A_122, %cond3A_123 : i32
    scf.if %cond3A_124 {
      %get3A_125 = arith.constant 0 : index
      %get3A_126 = arith.constant 0 : index
      %get3A_127 = vector.load %arg13[%get3A_125, %get3A_126] : memref<1024x1024xf32, #tpu.memory_space<vmem>>, vector<1024x1024xf32>
      %add3A_128 = arith.addf %get3A_127, %dot_general3A_114 : vector<1024x1024xf32>
      %swap3A = arith.constant 0 : index
      %swap3A_129 = arith.constant 0 : index
      %swap3A_130 = vector.load %arg13[%swap3A, %swap3A_129] : memref<1024x1024xf32, #tpu.memory_space<vmem>>, vector<1024x1024xf32>
      tpu.vector_store %arg13[%swap3A, %swap3A_129], %add3A_128 {strides = array<i32>} : memref<1024x1024xf32, #tpu.memory_space<vmem>>, vector<1024x1024xf32>,
    } else {
    }
    return
  }
  func.func @transform_0(%arg0: i32, %arg1: memref<32xi32, #tpu.memory_space<smem>>, %arg2: memref<32xi32, #tpu.memory_space<smem>>, %arg3: memref<32xi32, #tpu.memory_space<smem>>, %arg4: memref<1xi32, #tpu.memory_space<smem>>) -> (i32, i32) {
    %c0_i32 = arith.constant 0 : i32
    %c0_i32_0 = arith.constant 0 : i32
    %c0_i32_1 = arith.constant 0 : i32
    return %c0_i32, %c0_i32_0 : i32, i32
  }
  func.func @transform_1(%arg0: i32, %arg1: memref<32xi32, #tpu.memory_space<smem>>, %arg2: memref<32xi32, #tpu.memory_space<smem>>, %arg3: memref<32xi32, #tpu.memory_space<smem>>, %arg4: memref<1xi32, #tpu.memory_space<smem>>) -> (i32, i32) {
    %c0_i32 = arith.constant 0 : i32
    %c0_i32_0 = arith.constant 0 : i32
    %c0_i32_1 = arith.constant 0 : i32
    return %c0_i32, %c0_i32_0 : i32, i32
  }
  func.func @transform_2(%arg0: i32, %arg1: memref<32xi32, #tpu.memory_space<smem>>, %arg2: memref<32xi32, #tpu.memory_space<smem>>, %arg3: memref<32xi32, #tpu.memory_space<smem>>, %arg4: memref<1xi32, #tpu.memory_space<smem>>) -> (i32, i32) {
    %c0_i32 = arith.constant 0 : i32
    %c0_i32_0 = arith.constant 0 : i32
    %c0_i32_1 = arith.constant 0 : i32
    return %c0_i32, %c0_i32_0 : i32, i32
  }
  func.func @transform_3(%arg0: i32, %arg1: memref<32xi32, #tpu.memory_space<smem>>, %arg2: memref<32xi32, #tpu.memory_space<smem>>, %arg3: memref<32xi32, #tpu.memory_space<smem>>, %arg4: memref<1xi32, #tpu.memory_space<smem>>) -> (i32, i32) {
    %c0_i32 = arith.constant 0 : i32
    %c0_i32_0 = arith.constant 0 : i32
    %c0_i32_1 = arith.constant 0 : i32
    return %c0_i32, %c0_i32_0 : i32, i32
  }
  func.func @transform_5(%arg0: i32, %arg1: memref<32xi32, #tpu.memory_space<smem>>, %arg2: memref<32xi32, #tpu.memory_space<smem>>, %arg3: memref<32xi32, #tpu.memory_space<smem>>, %arg4: memref<1xi32, #tpu.memory_space<smem>>) -> (i32, i32, i32) {
    %get3A = arith.index_cast %arg0 : i32 to index
    %get3A_0 = memref.load %arg1[%get3A] : memref<32xi32, #tpu.memory_space<smem>>
    %c0_i32 = arith.constant 0 : i32
    %c0_i32_1 = arith.constant 0 : i32
    %c0_i32_2 = arith.constant 0 : i32
    return %get3A_0, %c0_i32, %c0_i32_1 : i32, i32, i32
  }
  func.func @transform_7(%arg0: i32, %arg1: memref<32xi32, #tpu.memory_space<smem>>, %arg2: memref<32xi32, #tpu.memory_space<smem>>, %arg3: memref<32xi32, #tpu.memory_space<smem>>, %arg4: memref<1xi32, #tpu.memory_space<smem>>) -> (i32, i32, i32) {
    %get3A = arith.index_cast %arg0 : i32 to index
    %get3A_0 = memref.load %arg1[%get3A] : memref<32xi32, #tpu.memory_space<smem>>
    %c0_i32 = arith.constant 0 : i32
    %c0_i32_1 = arith.constant 0 : i32
    %c0_i32_2 = arith.constant 0 : i32
    return %get3A_0, %c0_i32, %c0_i32_1 : i32, i32, i32
  }
  func.func @transform_8(%arg0: i32, %arg1: memref<32xi32, #tpu.memory_space<smem>>, %arg2: memref<32xi32, #tpu.memory_space<smem>>, %arg3: memref<32xi32, #tpu.memory_space<smem>>, %arg4: memref<1xi32, #tpu.memory_space<smem>>) -> (i32, i32) {
    %c0_i32 = arith.constant 0 : i32
    %c0_i32_0 = arith.constant 0 : i32
    %c0_i32_1 = arith.constant 0 : i32
    return %c0_i32, %c0_i32_0 : i32, i32
  }
}

</mosaic_0001>

<sc_bundles>
// kernel: kernel.6.cloned.1.call-start
scs
__scs_entry_jumppad:
0x0: {  	(pc) =	sbr.rel $0x88, $3  }
0x1: {  	(tag) =	ssettag $0x0;
	lr =	simm.s32 $0x1  }
0x2: {  	[smem:$0x3F8F] =	sst lr;
	_ =	strace $0xD0000000  }
0x3: {  	_ = 	snop  }
0x4: {  	_ = 	snop  }
0x5: {  	_ = 	snop  }
0x6: {  	_ = 	snop  }
0x7: {  	_ = 	snop  }
__scs_overlays_trampoline_lowered:
0x8: {  	[smem:$0x3F9E] =	sst s0  }
0x9: {  	[smem:$0x3F9F] =	sst s1  }
0xa: {  	[smem:$0x3FA0] =	sst s2  }
0xb: {  	[smem:$0x3FA1] =	sst s3  }
0xc: {  	[smem:$0x3FA2] =	sst s4  }
0xd: {  	[smem:$0x3FA3] =	sst s5  }
0xe: {  	[smem:$0x3FA4] =	sst s6  }
0xf: {  	[smem:$0x3FA5] =	sst s7  }
0x10: {  	[smem:$0x3FA6] =	sst s8  }
0x11: {  	[smem:$0x3FA7] =	sst s9;
	s0 =	simm.s32 @!p0 $0x0  }
0x12: {  	s1 =	sld [smem:$0x3F8D];
	s0 =	simm.s32 @p0 $0x1  }
0x13: {  	[smem:$0x3FA8] =	sst s0;
	s0 =	simm.s32 @!p1 $0x0  }
0x14: {  	s2 =	sld [smem:$0x3F8C];
	s0 =	simm.s32 @p1 $0x1  }
0x15: {  	[smem:$0x3FA9] =	sst s0;
	s0 =	simm.s32 @!p2 $0x0  }
0x16: {  	s3 =	sld [smem:$0x3FDB];
	s0 =	simm.s32 @p2 $0x1  }
0x17: {  	s4 =	simm.s32 $0x1BF5;
	[smem:$0x3FAB] =	sst s0  }
0x18: {  	s0 =	sld [smem:$0x3F8E];
	_ =	swait.ge [sflag:s4], $0x0  }
0x19: {  	s7 =	sld [smem:$0x3F8F]  }
0x1a: {  	s8 =	sadd.s32 $0xFFFFE003, lr  }
0x1b: {  	s9 =	sadd.s32 $0xFFFFFEF7, lr;
	s5 =	simm.s32 $0xFFFFFFFF;
	p2 =	slt.u32 s8, $0xFFFFF086  }
0x1c: {  	p1 =	slt.u32 s9, $0xF7A;
	s5 =	simm.s32 @!p2 $0x0  }
0x1d: {  	s5 =	simm.s32 @p1 $0x1;
	p0 =	seq.s32 s7, s2  }
0x1e: {  	s7 =	smul.u32 @!p0 $0xF7A, s2;
	p2 =	seq.s32 @!p0 s5, $0x0  }
0x1f: {  	s9 =	smul.u32 $0xF7A, s1;
	s8 =	simm.s32 @!p0 $0x1BF5;
	p2 =	por !p2, p0  }
0x20: {  	[sflag:s8] =	ssyncset.s32 @!p0 $0xFFFFF086;
	s6 =	sadd.s32 @!p0 s3, s7;
	s7 =	simm.s32 @!p0 $0x108  }
0x21: {  	s3 =	sadd.s32 s3, s9;
	s6 =	sadd.s32 @!p0 $0x88, s6;
	s7 =	simm.s32 @p2 $0x1082  }
0x22: {  	[simem:s7], [sflag:s8] =	dma.local @!p0 [hbm:s6], $0xF7A  }
0x23: {  	s9 =	sor.u32 $0xD0000000, s2;
	s6 =	simm.s32 $0x108;
	_ =	swait.ge @!p0 [sflag:s8], $0x0  }
0x24: {  	s3 =	sadd.s32 $0x88, s3;
	s6 =	simm.s32 @!p1 $0x1082;
	[sflag:s4] =	ssyncset.s32 $0xFFFFF086  }
0x25: {  	[simem:s6], [sflag:s4] =	dma.local [hbm:s3], $0xF7A  }
0x26: {  	[smem:$0x3F8F] =	sst s1;
	(tag) =	ssettag s2;
	_ =	strace s9  }
0x27: {  	s1 =	sld [smem:$0x3F9F]  }
0x28: {  	s2 =	sld [smem:$0x3FA0]  }
0x29: {  	s4 =	sld [smem:$0x3FA2]  }
0x2a: {  	p0 =	seq.s32 s5, $0x0;
	s5 =	sld [smem:$0x3FA3]  }
0x2b: {  	s6 =	sld [smem:$0x3FA4]  }
0x2c: {  	s7 =	sld [smem:$0x3FA5]  }
0x2d: {  	s3 =	simm.s32 $0x108;
	s8 =	sld [smem:$0x3FA6]  }
0x2e: {  	s3 =	simm.s32 @!p0 $0x1082;
	s9 =	sld [smem:$0x3FA7]  }
0x2f: {  	lr =	sadd.s32 s0, s3;
	s0 =	sld [smem:$0x3F9E]  }
0x30: {  	s3 =	sld [smem:$0x3FA1]  }
0x31: {  	[smem:$0x3FAA] =	sst s10  }
0x32: {  	s10 =	sld [smem:$0x3FA8];
	_ =	sdelay $0x3  }
0x33: {  	p0 =	seq.s32 s10, $0x1;
	s10 =	sld [smem:$0x3FAA];
	_ =	sdelay $0x3  }
0x34: {  	[smem:$0x3FAA] =	sst s10  }
0x35: {  	s10 =	sld [smem:$0x3FA9];
	_ =	sdelay $0x3  }
0x36: {  	p1 =	seq.s32 s10, $0x1;
	s10 =	sld [smem:$0x3FAA];
	_ =	sdelay $0x3  }
0x37: {  	[smem:$0x3FAA] =	sst s10  }
0x38: {  	s10 =	sld [smem:$0x3FAB]  }
0x39: {  	_ = 	snop;
	(pc) =	sbr.ind lr, $3  }
0x3a: {  	_ = 	snop  }
0x3b: {  	_ = 	snop  }
0x3c: {  	p2 =	seq.s32 s10, $0x1;
	s10 =	sld [smem:$0x3FAA]  }
0x3d: {  	_ =	shalt  }
0x3e: {  	_ =	shalt  }
0x3f: {  	_ =	shalt  }
0x40: {  	_ =	shalt  }
0x41: {  	_ =	shalt  }
0x42: {  	_ =	shalt  }
0x43: {  	_ =	shalt  }
0x44: {  	_ =	shalt  }
0x45: {  	_ =	shalt  }
0x46: {  	_ =	shalt  }
0x47: {  	_ =	shalt  }
0x48: {  	_ =	shalt  }
0x49: {  	_ =	shalt  }
0x4a: {  	_ =	shalt  }
0x4b: {  	_ =	shalt  }
0x4c: {  	_ =	shalt  }
0x4d: {  	_ =	shalt  }
0x4e: {  	_ =	shalt  }
0x4f: {  	_ =	shalt  }
0x50: {  	_ =	shalt  }
0x51: {  	_ =	shalt  }
0x52: {  	_ =	shalt  }
0x53: {  	_ =	shalt  }
0x54: {  	_ =	shalt  }
0x55: {  	_ =	shalt  }
0x56: {  	_ =	shalt  }
0x57: {  	_ =	shalt  }
0x58: {  	_ =	shalt  }
0x59: {  	_ =	shalt  }
0x5a: {  	_ =	shalt  }
0x5b: {  	_ =	shalt  }
0x5c: {  	_ =	shalt  }
0x5d: {  	_ =	shalt  }
0x5e: {  	_ =	shalt  }
0x5f: {  	_ =	shalt  }
0x60: {  	_ =	shalt  }
0x61: {  	_ =	shalt  }
0x62: {  	_ =	shalt  }
0x63: {  	_ =	shalt  }
0x64: {  	_ =	shalt  }
0x65: {  	_ =	shalt  }
0x66: {  	_ =	shalt  }
0x67: {  	_ =	shalt  }
0x68: {  	_ =	shalt  }
0x69: {  	_ =	shalt  }
0x6a: {  	_ =	shalt  }
0x6b: {  	_ =	shalt  }
0x6c: {  	_ =	shalt  }
0x6d: {  	_ =	shalt  }
0x6e: {  	_ =	shalt  }
0x6f: {  	_ =	shalt  }
0x70: {  	_ =	shalt  }
0x71: {  	_ =	shalt  }
0x72: {  	_ =	shalt  }
0x73: {  	_ =	shalt  }
0x74: {  	_ =	shalt  }
0x75: {  	_ =	shalt  }
0x76: {  	_ =	shalt  }
0x77: {  	_ =	shalt  }
0x78: {  	_ =	shalt  }
0x79: {  	_ =	shalt  }
0x7a: {  	_ =	shalt  }
0x7b: {  	_ =	shalt  }
0x7c: {  	_ =	shalt  }
0x7d: {  	_ =	shalt  }
0x7e: {  	_ =	shalt  }
0x7f: {  	_ =	shalt  }
0x80: {  	_ =	shalt  }
0x81: {  	_ =	shalt  }
0x82: {  	_ =	shalt  }
0x83: {  	_ =	shalt  }
0x84: {  	_ =	shalt  }
0x85: {  	_ =	shalt  }
0x86: {  	_ =	shalt  }
0x87: {  	_ =	shalt  }
.Lfunc_end0:
.L_simem_size_0:
called_computation_lowered:
.L_overlay_start_0:
0x88: {  	s2 =	sld [smem:$0x3FD9]  }
0x89: {  	s3 =	sld [smem:$0x3FFE];
	_ =	sdelay $0x1  }
0x8a: {  	s1 =	srdreg.scid  }
0x8b: {  	s0 =	sand.u32 $0x1, s1  }
0x8c: {  	s17 =	sshll.u32 s0, $0xA;
	s2 =	sadd.s32 s3, s2  }
0x8d: {  	s2 =	sadd.s32 s2, s17  }
0x8e: {  	[smem:$0x3FB6] =	sst s2  }
0x8f: {  	_ = 	snop  }
0x90: {  	s2 =	sld [smem:$0x3FBF]  }
0x91: {  	s18 =	sld [smem:$0x3FBA]  }
0x92: {  	s4 =	sld [smem:$0x3FB9]  }
0x93: {  	s5 =	sld [smem:$0x3FB8];
	(tm) =	ssettm $0x1  }
0x94: {  	s6 =	sld [smem:$0x3FFB];
	_ =	sdelay $0x3  }
0x95: {  	_ =	strace s6  }
0x96: {  	s6 =	sld [smem:$0x3FFC];
	_ =	sdelay $0x3  }
0x97: {  	_ =	strace s6  }
0x98: {  	s6 =	sld [smem:$0x3FFD];
	_ =	sdelay $0x3  }
0x99: {  	_ =	strace s6  }
0x9a: {  	_ =	strace $0x8FFFFFFF  }
0x9b: {  	s19 =	sld [smem:$0x3FDB];
	_ =	sdelay $0x1  }
0x9c: {  	s7 =	simm.s32 $_scs_section_size  }
0x9d: {  	s8 =	simm.s32 $_size__tile_overlayer_lowered;
	s9 =	simm.s32 $_tile_overlayer_lowered  }
0x9e: {  	s22 =	simm.s32 $0x1BFF;
	s21 =	sshll.u32 s9, $0x1;
	s6 =	sadd.s32 s7, s19  }
0x9f: {  	s10 =	simm.s32 $0x0;
	s20 =	sshll.u32 s8, $0x1;
	s8 =	sadd.s32 s21, s6  }
0xa0: {  	[timem:s10], [sflag:s22] =	dma.local [hbm:s8], s20  }
0xa1: {  	_ =	swait.ge [sflag:s22], s20  }
0xa2: {  	s7 =	ssub.s32 $0x0, s20;
	[sflag:s22] =	ssyncset.done $0x0  }
0xa3: {  	[sflag:s22] =	ssyncadd.s32 s7;
	_ =	sdelay $0x1  }
0xa4: {  	s23 =	simm.s32 $0x1B8B  }
0xa5: {  	_ =	swait.ge [sflag:s23], $0x1  }
0xa6: {  	[sflag:s23] =	ssyncset.done $0x0  }
0xa7: {  	s25 =	simm.s32 $0x1B8E;
	s24 =	sld [smem:$0x3FFE];
	[sflag:s23] =	ssyncadd.s32 $0xFFFFFFFF  }
0xa8: {  	s26 =	simm.s32 $execute0_lowered;
	[smem:$0x3FD2] =	sst s25  }
0xa9: {  	s8 =	sshll.u32 s26, $0x1;
	_ =	strace $0x80000046;
	[dreg:$0x1] =	wrdreg $0xFFFFFFFF  }
0xaa: {  	s28 =	simm.s32 $_size_execute0_lowered;
	s6 =	sadd.s32 s6, s8;
	[dreg:$0x0] =	wrdreg $0x0  }
0xab: {  	s8 =	sshll.u32 s28, $0x1;
	[dreg:$0x2] =	wrdreg s6  }
0xac: {  	[dreg:$0x3] =	wrdreg s8  }
0xad: {  	[dreg:$0x4] =	wrdreg $0xC0  }
0xae: {  	_ =	task [dreg:s10], $0x5FFFF  }
0xaf: {  	[dreg:$0x1] =	wrdreg $0xFFFFFFFF  }
0xb0: {  	[dreg:$0x0] =	wrdreg $0x60  }
0xb1: {  	[dreg:$0x2] =	wrdreg s18  }
0xb2: {  	[dreg:$0x3] =	wrdreg s2  }
0xb3: {  	[dreg:$0x4] =	wrdreg s5  }
0xb4: {  	[dreg:$0x5] =	wrdreg s4  }
0xb5: {  	[dreg:$0x6] =	wrdreg s24  }
0xb6: {  	[dreg:$0x7] =	wrdreg $0x9  }
0xb7: {  	_ =	task.clear_ibuf [dreg:s10], $0x8FFFF;
	_ =	strace $0x90000046  }
0xb8: {  	s29 =	simm.s32 $0x9;
	_ =	strace $0x80000048  }
0xb9: {  	_ =	swait.ge [sflag:s29], $0x1  }
0xba: {  	[sflag:s29] =	ssyncadd.s32 $0xFFFFFFFF  }
0xbb: {  	_ =	strace $0x90000048  }
0xbc: {  	_ =	sfence  }
0xbd: {  	s30 =	sld [smem:$0x0];
	_ =	sdelay $0x2  }
0xbe: {  	s31 =	sshll.u32 s1, $0xD;
	s1 =	sshrl.u32 s1, $0x2  }
0xbf: {  	s3 =	sand.u32 $0x4000, s31;
	s1 =	sadd.s32 s1, s30  }
0xc0: {  	s0 =	sor.u32 s3, s0;
	s1 =	sshll.u32 s1, $0x11  }
0xc1: {  	s0 =	sor.u32 s1, s0  }
0xc2: {  	s0 =	sadd.s32 $0x8F2B, s0  }
0xc3: {  	[sflag:s0] =	ssyncadd.remote.s32 $0x1  }
0xc4: {  	_ =	sfence.sel $0xFFFF  }
0xc5: {  	[dreg:$0x0] =	wrdreg $0xFFFFFFFF;
	(pc) =	sbr.abs _section_cstart, $3  }
0xc6: {  	[dreg:$0x1] =	wrdreg $0xFFFFFFFF  }
0xc7: {  	_ =	task.clear_ibuf [dreg:s10], $0x2FFFF;
	_ =	strace $0x9FFFFFFF  }
0xc8: {  	(tm) =	ssettm $0x7FFFFFFF  }
0xc9: {  	_ =	shalt  }
tec
execute0_lowered:
.L_overlay_start_1:
0x0: {  	(tag) =	ssettag $0x1  }
0x1: {  	s0 =	rddreg [dreg:$0x0]  }
0x2: {  	s1 =	rddreg [dreg:$0x1]  }
0x3: {  	s2 =	rddreg [dreg:$0x2]  }
0x4: {  	s3 =	srdreg.scid;
	s8 =	rddreg [dreg:$0x3]  }
0x5: {  	s25 =	stileid.u32;
	s5 =	rddreg [dreg:$0x4];
	s12 =	simm.s32 $0x100  }
0x6: {  	s13 =	simm.s32 $0x900;
	s14 =	simm.s32 $0x1100;
	s15 =	simm.s32 $0x1900  }
0x7: {  	s16 =	simm.s32 $0x2100;
	s17 =	simm.s32 $0x2900;
	s18 =	simm.s32 $0x3100  }
0x8: {  	s19 =	simm.s32 $0x3900;
	s20 =	simm.s32 $0x4100;
	s21 =	simm.s32 $0x4900  }
0x9: {  	s22 =	simm.s32 $0x5100;
	s23 =	simm.s32 $0x5900;
	s24 =	simm.s32 $0x6100  }
0xa: {  	s28 =	simm.s32 $0x7900;
	s29 =	simm.s32 $0x1;
	s30 =	simm.s32 $0x80  }
0xb: {  	s31 =	simm.s32 $0x20;
	[dreg:$0x6] =	wrdreg s1;
	s4 =	sand.u32 $0x1, s3  }
0xc: {  	s6 =	sshll.u32 s25, $0x6;
	s3 =	simm.s32 $0x0;
	s25 =	simm.s32 $0x6900  }
0xd: {  	s7 =	sshll.u32 s4, $0x5;
	[smem:$0x7FF] =	sst s3;
	s4 =	ssub.s32 $0x2, s4  }
0xe: {  	s6 =	sor.u32 s7, s6;
	_ =	strace $0x80000047;
	s26 =	sshrl.u32 s4, $0x1  }
0xf: {  	s7 =	sshll.u32 s6, $0x7;
	s9 =	sshll.u32 s6, $0x4;
	s10 =	sshrl.u32 s6, $0x3  }
0x10: {  	s11 =	ssub.s32 s4, s26;
	s4 =	sadd.s32 $0x100, s0;
	s6 =	sadd.s32 $0x300, s0  }
0x11: {  	s26 =	simm.s32 $0x7100;
	s7 =	sadd.s32 s7, s5;
	s9 =	sadd.s32 s9, s5  }
0x12: {  	v2 =	vlaneseq.u32;
	s2 =	sadd.s32 s2, s10;
	s5 =	sadd.s32 $0x200, s0;
	s8 =	sadd.s32 s8, s10  }
0x13: {  	vm0 =	vmmov $0xffff;
	v1 =	vshrl.u32 v2, $0x3;
	s10 =	smax.u32 s11, $0x1;
	s11 =	simm.s32 $0x2;
	[dreg:$0x7] =	wrdreg s2  }
0x14: {  	v0 =	vand.u32 $0x7, v2;
	v2 =	vor.u32 $0x8, v2;
	v1 =	vmul.u32 $0x8, v1;
	s7 =	sadd.s32 $0xC00, s7;
	s9 =	sadd.s32 $0x20C00, s9;
	s2 =	simm.s32 $0x8100  }
.LBB2_1:
0x15: {  	s1 =	rddreg [dreg:$0x7]  }
0x16: {  	[tilespmem:s3], [sflag:$0x2] =	stream.linear.gather [hbm4b:s1+s3], $0x20, $0x38;
	[tilespmem:$0x9100] =	vst v63  }
0x17: {  	_ =	swait.ge [sflag:s11], $0x20  }
0x18: {  	[sflag:s11] =	ssyncset.done $0x0  }
0x19: {  	[sflag:s11] =	ssyncadd.s32 $0xFFFFFFE0  }
0x1a: {  	v3 =	vld [tilespmem:$0x0];
	_ =	sdelay $0x4  }
0x1b: {  	v4 =	vshll.u32 v3, $0x3  }
0x1c: {  	v3 =	vand.u32 $0x7, v3;
	v4 =	vand.u32 $0xFFFFFFC0, v4  }
0x1d: {  	v3 =	vor.u32 v3, v4  }
0x1e: {  	v4 =	vperm.xlane v3, v0;
	_ =	sdelay $0x1  }
0x1f: {  	v4 =	vadd.s32 v1, v4;
	_ =	sdelay $0x4  }
0x20: {  	[tilespmem:s12], [sflag:$0x1] =	stream.indirect_vreg.gather [hbm4b:s0+s3], $0x80, v4, vm0, $0xb8;
	[tilespmem:$0x9100] =	vst v63  }
0x21: {  	v3 =	vperm.xlane v3, v2  }
0x22: {  	[tilespmem:s13], [sflag:$0x1] =	stream.indirect_vreg.gather [hbm4b:s4+s3], $0x80, v4, vm0, $0xb8;
	[tilespmem:$0x9100] =	vst v63  }
0x23: {  	v3 =	vadd.s32 v1, v3  }
0x24: {  	[tilespmem:s14], [sflag:$0x1] =	stream.indirect_vreg.gather [hbm4b:s5+s3], $0x80, v4, vm0, $0xb8;
	[tilespmem:$0x9100] =	vst v63  }
0x25: {  	_ = 	snop  }
0x26: {  	[tilespmem:s15], [sflag:$0x1] =	stream.indirect_vreg.gather [hbm4b:s6+s3], $0x80, v4, vm0, $0xb8;
	[tilespmem:$0x9100] =	vst v63  }
0x27: {  	_ = 	snop  }
0x28: {  	[tilespmem:s16], [sflag:$0x1] =	stream.indirect_vreg.gather [hbm4b:s0+s3], $0x80, v3, vm0, $0xb8;
	[tilespmem:$0x9100] =	vst v63  }
0x29: {  	_ = 	snop  }
0x2a: {  	[tilespmem:s17], [sflag:$0x1] =	stream.indirect_vreg.gather [hbm4b:s4+s3], $0x80, v3, vm0, $0xb8;
	[tilespmem:$0x9100] =	vst v63  }
0x2b: {  	_ = 	snop  }
0x2c: {  	[tilespmem:s18], [sflag:$0x1] =	stream.indirect_vreg.gather [hbm4b:s5+s3], $0x80, v3, vm0, $0xb8;
	[tilespmem:$0x9100] =	vst v63  }
0x2d: {  	_ = 	snop  }
0x2e: {  	[tilespmem:s19], [sflag:$0x1] =	stream.indirect_vreg.gather [hbm4b:s6+s3], $0x80, v3, vm0, $0xb8;
	[tilespmem:$0x9100] =	vst v63  }
0x2f: {  	v3 =	vld [tilespmem:$0x10];
	_ =	sdelay $0x4  }
0x30: {  	v63 =	vshll.u32 v3, $0x3  }
0x31: {  	v3 =	vand.u32 $0x7, v3;
	v4 =	vand.u32 $0xFFFFFFC0, v63  }
0x32: {  	v3 =	vor.u32 v3, v4  }
0x33: {  	v4 =	vperm.xlane v3, v0;
	_ =	sdelay $0x1  }
0x34: {  	v4 =	vadd.s32 v1, v4;
	_ =	sdelay $0x4  }
0x35: {  	[tilespmem:s20], [sflag:$0x1] =	stream.indirect_vreg.gather [hbm4b:s0+s3], $0x80, v4, vm0, $0xb8;
	[tilespmem:$0x9100] =	vst v63  }
0x36: {  	v3 =	vperm.xlane v3, v2  }
0x37: {  	[tilespmem:s21], [sflag:$0x1] =	stream.indirect_vreg.gather [hbm4b:s4+s3], $0x80, v4, vm0, $0xb8;
	[tilespmem:$0x9100] =	vst v63  }
0x38: {  	v3 =	vadd.s32 v1, v3  }
0x39: {  	[tilespmem:s22], [sflag:$0x1] =	stream.indirect_vreg.gather [hbm4b:s5+s3], $0x80, v4, vm0, $0xb8;
	[tilespmem:$0x9100] =	vst v63  }
0x3a: {  	_ = 	snop  }
0x3b: {  	[tilespmem:s23], [sflag:$0x1] =	stream.indirect_vreg.gather [hbm4b:s6+s3], $0x80, v4, vm0, $0xb8;
	[tilespmem:$0x9100] =	vst v63  }
0x3c: {  	_ = 	snop  }
0x3d: {  	[tilespmem:s24], [sflag:$0x1] =	stream.indirect_vreg.gather [hbm4b:s0+s3], $0x80, v3, vm0, $0xb8;
	[tilespmem:$0x9100] =	vst v63  }
0x3e: {  	_ = 	snop  }
0x3f: {  	[tilespmem:s25], [sflag:$0x1] =	stream.indirect_vreg.gather [hbm4b:s4+s3], $0x80, v3, vm0, $0xb8;
	[tilespmem:$0x9100] =	vst v63  }
0x40: {  	_ = 	snop  }
0x41: {  	[tilespmem:s26], [sflag:$0x1] =	stream.indirect_vreg.gather [hbm4b:s5+s3], $0x80, v3, vm0, $0xb8;
	[tilespmem:$0x9100] =	vst v63  }
0x42: {  	_ = 	snop  }
0x43: {  	[tilespmem:s28], [sflag:$0x1] =	stream.indirect_vreg.gather [hbm4b:s6+s3], $0x80, v3, vm0, $0xb8;
	[tilespmem:$0x9100] =	vst v63  }
0x44: {  	_ =	swait.ge [sflag:s29], $0x8000  }
0x45: {  	[sflag:s29] =	ssyncset.done $0x0  }
0x46: {  	[sflag:s29] =	ssyncadd.s32 $0xFFFF8000  }
0x47: {  	[hbm4b:s7+s3] =	stream.linear.scatter [tilespmem:s12], [sflag:$0x2], $0x8000, $0x38;
	[tilespmem:$0x9100] =	vst v63  }
0x48: {  	_ =	swait.ge [sflag:s11], $0x8000  }
0x49: {  	[sflag:s11] =	ssyncset.done $0x0  }
0x4a: {  	[sflag:s11] =	ssyncadd.s32 $0xFFFF8000  }
0x4b: {  	[tilespmem:s30], [sflag:$0x2] =	stream.linear.gather [hbm4b:s8+s3], $0x20, $0x38;
	[tilespmem:$0x9100] =	vst v63  }
0x4c: {  	_ =	swait.ge [sflag:s11], $0x20  }
0x4d: {  	[sflag:s11] =	ssyncset.done $0x0  }
0x4e: {  	s1 =	rddreg [dreg:$0x6];
	[sflag:s11] =	ssyncadd.s32 $0xFFFFFFE0  }
0x4f: {  	[tilespmem:s2], [sflag:$0x1] =	stream.indirect.gather [hbm4b:s1+s31], $0x80, s30, s31, $0xb8;
	[tilespmem:$0x9100] =	vst v63  }
0x50: {  	_ =	swait.ge [sflag:s29], $0x1000  }
0x51: {  	p0 =	sne.s32 s10, $0x1;
	[sflag:s29] =	ssyncset.done $0x0  }
.Ltmp0:
0x52: {  	[sflag:s29] =	ssyncadd.s32 $0xFFFFF000;
	(pc) =	sbr.rel @p0 .LBB2_1-.Ltmp0, $4  }
0x53: {  	[hbm4b:s9+s3] =	stream.linear.scatter [tilespmem:s2], [sflag:$0x2], $0x1000, $0x38;
	[tilespmem:$0x9100] =	vst v63  }
0x54: {  	_ =	swait.ge [sflag:s11], $0x1000  }
0x55: {  	[sflag:s11] =	ssyncset.done $0x0  }
0x56: {  	s10 =	sadd.s32 $0xFFFFFFFF, s10;
	[sflag:s11] =	ssyncadd.s32 $0xFFFFF000  }
0x57: {  	_ =	sfence.sel $0x180000  }
0x58: {  	[bflag:$0x0] =	sbarrier.arrive $0xFFFF  }
0x59: {  	_ =	strace $0x90000047  }
0x5a: {  	s0 =	stileid.u32;
	[bflag:$0x2] =	sbarrier.arrive $0xFFFF  }
0x5b: {  	p0 =	sne.s32 s0, $0x0;
	s0 =	rddreg [dreg:$0x5]  }
0x5c: {  	s0 =	sadd.s32 @!p0 $0x100000, s0  }
0x5d: {  	[sflag:s0] =	ssyncadd.tile.s32 @!p0 $0x1;
	_ =	shalt  }
.Lfunc_end2:
_tile_overlayer_lowered:
.L_overlay_start_2:
0x5e: {  	(tag) =	ssettag $0x2  }
0x5f: {  	s0 =	rddreg [dreg:$0x0];
	s2 =	stileid.u32  }
0x60: {  	s1 =	rddreg [dreg:$0x1];
	p0 =	sne.s32 s2, $0x0  }
0x61: {  	s3 =	rddreg [dreg:$0x2];
	[bflag:$0x3] =	sbarrier.arrive $0xFFFF;
	s2 =	simm.s32 @!p0 $0x1C02  }
0x62: {  	[timem:s3], [sflag:s2] =	dma.local @!p0 [hbm:s0], s1  }
0x63: {  	s0 =	simm.s32 @!p0 $0x2  }
0x64: {  	_ =	swait.ge @!p0 [sflag:s0], s1  }
0x65: {  	s1 =	ssub.s32 @!p0 $0x0, s1;
	[sflag:s0] =	ssyncset.done @!p0 $0x0  }
0x66: {  	[sflag:s0] =	ssyncadd.s32 @!p0 s1  }
0x67: {  	[bflag:$0x3] =	sbarrier.arrive $0xFFFF  }
0x68: {  	_ =	shalt  }

</sc_bundles>
